<compile_context>
chip_gen: v7x
topology: tpu7x:2x2x1
jax: 0.10.2.dev20260603
libtpu: 0.0.44.dev20260713+nightly
codegen_flags: <defaults>
</compile_context>

<pallas_src>
import functools

import jax
import jax.numpy as jnp
from jax import lax
from jax.experimental import pallas as pl
from jax.experimental.pallas import tpu as pltpu
from jax.experimental.pallas import tpu_sc as plsc

NC = 2
NS = 16
L = 16
NWRIT = 16


def _make_deg_kernel(E, NP):
    EW = E // (NC * NS)
    RED = NP // NS
    mesh = plsc.VectorSubcoreMesh(
        core_axis_name="c", subcore_axis_name="s", num_cores=NC, num_subcores=NS
    )

    @functools.partial(
        pl.kernel,
        out_type=(
            jax.ShapeDtypeStruct((NP,), jnp.float32),
            jax.ShapeDtypeStruct((NP,), jnp.float32),
        ),
        mesh=mesh,
        compiler_params=pltpu.CompilerParams(needs_layout_passes=False),
        scratch_types=[
            pltpu.VMEM((EW,), jnp.int32),
            pltpu.VMEM((EW,), jnp.float32),
            pltpu.VMEM((NP,), jnp.float32),
            pltpu.VMEM((RED,), jnp.float32),
            pltpu.VMEM((RED,), jnp.float32),
            pltpu.VMEM((RED,), jnp.float32),
            pltpu.VMEM_SHARED((NS, NP), jnp.float32),
            pltpu.SemaphoreType.DMA,
            pltpu.SemaphoreType.DMA,
        ],
    )
    def deg_kernel(ei_hbm, w_hbm, out0_hbm, out1_hbm, row_v, w_v, deg_v,
                   red_v, tmp0_v, tmp1_v, shared, sem_a, sem_b):
        c = lax.axis_index("c")
        s = lax.axis_index("s")
        wid = s * NC + c

        cp_r = pltpu.async_copy(ei_hbm.at[pl.ds(wid * EW, EW)], row_v, sem_a)
        cp_w = pltpu.async_copy(w_hbm.at[pl.ds(wid * EW, EW)], w_v, sem_b)

        @plsc.parallel_loop(0, NP // L, 1, unroll=8)
        def _(i):
            deg_v[pl.ds(i * L, L)] = jnp.zeros((L,), jnp.float32)
        cp_r.wait()
        cp_w.wait()

        @plsc.parallel_loop(0, EW // L, 1, unroll=25)
        def _(i):
            o = pl.ds(i * L, L)
            plsc.addupdate_scatter(deg_v, [row_v[o]], w_v[o])

        pltpu.sync_copy(deg_v, shared.at[s])
        plsc.subcore_barrier()

        slr = pl.ds(s * RED, RED)
        pltpu.sync_copy(shared.at[0, slr], red_v)

        def red_body(j, _):
            t = 1 + j * 2
            pltpu.async_copy(shared.at[t, slr], tmp0_v, sem_a)
            pltpu.async_copy(shared.at[t + 1, slr], tmp1_v, sem_b)
            pltpu.make_async_copy(shared.at[t, slr], tmp0_v, sem_a).wait()

            @plsc.parallel_loop(0, RED // L, 1, unroll=4)
            def _(k):
                plsc.addupdate(red_v.at[pl.ds(k * L, L)], tmp0_v[pl.ds(k * L, L)])
            pltpu.make_async_copy(shared.at[t + 1, slr], tmp1_v, sem_b).wait()

            @plsc.parallel_loop(0, RED // L, 1, unroll=4)
            def _(k):
                plsc.addupdate(red_v.at[pl.ds(k * L, L)], tmp1_v[pl.ds(k * L, L)])
            return ()
        lax.fori_loop(0, (NS - 1) // 2, red_body, ())
        pltpu.sync_copy(shared.at[NS - 1, slr], tmp0_v)

        @plsc.parallel_loop(0, RED // L, 1, unroll=4)
        def _(k):
            plsc.addupdate(red_v.at[pl.ds(k * L, L)], tmp0_v[pl.ds(k * L, L)])

        @pl.when(c == 0)
        def _():
            pltpu.sync_copy(red_v, out0_hbm.at[slr])

        @pl.when(c == 1)
        def _():
            pltpu.sync_copy(red_v, out1_hbm.at[slr])

    return deg_kernel


def _make_agg_kernel(E, NP2):
    EW = E // (NC * NS)
    RED = NP2 // NS
    mesh = plsc.VectorSubcoreMesh(
        core_axis_name="c", subcore_axis_name="s", num_cores=NC, num_subcores=NS
    )

    @functools.partial(
        pl.kernel,
        out_type=(
            jax.ShapeDtypeStruct((NP2,), jnp.float32),
            jax.ShapeDtypeStruct((NP2,), jnp.float32),
        ),
        mesh=mesh,
        compiler_params=pltpu.CompilerParams(needs_layout_passes=False),
        scratch_types=[
            pltpu.VMEM((EW,), jnp.int32),
            pltpu.VMEM((EW,), jnp.int32),
            pltpu.VMEM((EW,), jnp.float32),
            pltpu.VMEM((NP2,), jnp.float32),
            pltpu.VMEM((NP2,), jnp.float32),
            pltpu.VMEM((RED,), jnp.float32),
            pltpu.VMEM((RED,), jnp.float32),
            pltpu.VMEM((RED,), jnp.float32),
            pltpu.VMEM_SHARED((NS, NP2), jnp.float32),
            pltpu.SemaphoreType.DMA,
            pltpu.SemaphoreType.DMA,
            pltpu.SemaphoreType.DMA,
            pltpu.SemaphoreType.DMA,
        ],
    )
    def agg_kernel(ei_hbm, w_hbm, g2_hbm, out0_hbm, out1_hbm,
                   row_v, col_v, w_v, g2_v, acc_v, red_v, tmp0_v, tmp1_v,
                   shared, sem_a, sem_b, sem_c, sem_d):
        c = lax.axis_index("c")
        s = lax.axis_index("s")
        wid = s * NC + c

        cp_g = pltpu.async_copy(g2_hbm, g2_v, sem_c)
        cp_r = pltpu.async_copy(ei_hbm.at[pl.ds(wid * EW, EW)], row_v, sem_a)
        cp_c = pltpu.async_copy(ei_hbm.at[pl.ds(E + wid * EW, EW)], col_v, sem_b)
        cp_w = pltpu.async_copy(w_hbm.at[pl.ds(wid * EW, EW)], w_v, sem_d)

        @plsc.parallel_loop(0, NP2 // L, 1, unroll=8)
        def _(i):
            acc_v[pl.ds(i * L, L)] = jnp.zeros((L,), jnp.float32)
        cp_g.wait()
        cp_r.wait()
        cp_c.wait()
        cp_w.wait()

        npad = jnp.int32(NP2 // 2)

        @plsc.parallel_loop(0, EW // L, 1, unroll=25)
        def _(i):
            o = pl.ds(i * L, L)
            r = row_v[o]
            cc = col_v[o]
            wt = w_v[o]
            g0 = plsc.load_gather(g2_v, [r])
            g1 = plsc.load_gather(g2_v, [r + npad])
            plsc.addupdate_scatter(acc_v, [cc], g0 * wt)
            plsc.addupdate_scatter(acc_v, [cc + npad], g1 * wt)

        pltpu.sync_copy(acc_v, shared.at[s])
        plsc.subcore_barrier()

        slr = pl.ds(s * RED, RED)
        pltpu.sync_copy(shared.at[0, slr], red_v)

        def red_body(j, _):
            t = 1 + j * 2
            pltpu.async_copy(shared.at[t, slr], tmp0_v, sem_a)
            pltpu.async_copy(shared.at[t + 1, slr], tmp1_v, sem_b)
            pltpu.make_async_copy(shared.at[t, slr], tmp0_v, sem_a).wait()

            @plsc.parallel_loop(0, RED // L, 1, unroll=4)
            def _(k):
                plsc.addupdate(red_v.at[pl.ds(k * L, L)], tmp0_v[pl.ds(k * L, L)])
            pltpu.make_async_copy(shared.at[t + 1, slr], tmp1_v, sem_b).wait()

            @plsc.parallel_loop(0, RED // L, 1, unroll=4)
            def _(k):
                plsc.addupdate(red_v.at[pl.ds(k * L, L)], tmp1_v[pl.ds(k * L, L)])
            return ()
        lax.fori_loop(0, (NS - 1) // 2, red_body, ())
        pltpu.sync_copy(shared.at[NS - 1, slr], tmp0_v)

        @plsc.parallel_loop(0, RED // L, 1, unroll=4)
        def _(k):
            plsc.addupdate(red_v.at[pl.ds(k * L, L)], tmp0_v[pl.ds(k * L, L)])

        @pl.when(c == 0)
        def _():
            pltpu.sync_copy(red_v, out0_hbm.at[slr])

        @pl.when(c == 1)
        def _():
            pltpu.sync_copy(red_v, out1_hbm.at[slr])

    return agg_kernel


def _tc_mm_body(x_ref, w_ref, h_ref):
    NP2 = h_ref.shape[0]
    NPAD = NP2 // 2
    N = x_ref.shape[0]
    hT = lax.dot_general(
        w_ref[...], x_ref[...],
        dimension_numbers=(((0,), (1,)), ((), ())),
        preferred_element_type=jnp.float32,
    )
    C = hT.shape[0]
    for cc in range(C):
        h_ref[pl.ds(cc * NPAD, N)] = hT[cc]
        h_ref[pl.ds(cc * NPAD + N, NPAD - N)] = jnp.zeros(
            (NPAD - N,), jnp.float32)


def _tc_norm_body(d0_ref, d1_ref, h_ref, g_ref, dv_ref):
    NPAD = d0_ref.shape[0]
    deg = d0_ref[...] + d1_ref[...] + 1.0
    dinv = lax.rsqrt(jnp.maximum(deg, 1e-12))
    dv_ref[...] = dinv
    for cc in range(2):
        sl = pl.ds(cc * NPAD, NPAD)
        g_ref[sl] = h_ref[sl] * dinv


def _tc_out_body(a0_ref, a1_ref, g_ref, dv_ref, b_ref, o_ref):
    NPAD = dv_ref.shape[0]
    dinv = dv_ref[...]
    rows = []
    for cc in range(o_ref.shape[1]):
        sl = pl.ds(cc * NPAD, NPAD)
        t = dinv * (a0_ref[sl] + a1_ref[sl] + g_ref[sl])
        rows.append(t[None, :])
    t2 = jnp.concatenate(rows, axis=0)
    o_ref[...] = jnp.transpose(t2, (1, 0)) + b_ref[...]

def kernel(x, edge_index, edge_weight, W, b):
    N, D = x.shape
    C = W.shape[1]
    E = edge_index.shape[1]

    GRAN = NWRIT * L * 8
    NP = -(-N // GRAN) * GRAN
    NP2 = -(-(2 * N) // GRAN) * GRAN

    eflat = edge_index.reshape(2 * E)

    dp0, dp1 = _make_deg_kernel(E, NP)(eflat, edge_weight)

    h2 = pl.pallas_call(
        _tc_mm_body,
        out_shape=jax.ShapeDtypeStruct((NP2,), jnp.float32),
    )(x, W)

    g2, dinv = pl.pallas_call(
        _tc_norm_body,
        out_shape=(
            jax.ShapeDtypeStruct((NP2,), jnp.float32),
            jax.ShapeDtypeStruct((NP,), jnp.float32),
        ),
    )(dp0, dp1, h2)

    ap0, ap1 = _make_agg_kernel(E, NP2)(eflat, edge_weight, g2)

    outp = pl.pallas_call(
        _tc_out_body,
        out_shape=jax.ShapeDtypeStruct((NP2 // 2, C), jnp.float32),
    )(ap0, ap1, g2, dinv, b[None, :])
    return outp[:N]

# --- scband reference (transcript-rebuilt; emitter-appended) ---
"""Pipeline reference for scband-gcnmodel-88630945120897 (READ-ONLY COPY).

The authoritative reference and input builder live on the scoring server;
editing this copy changes nothing except your own understanding.
"""

import jax, jax.numpy as jnp
import numpy as np

N = 10000
E = 320000
D = 128
C = 2


def setup_inputs(seed: int = 0) -> dict:
    key = jax.random.key(seed)
    k1, k2, k3, k4 = jax.random.split(key, 4)
    x = jax.random.normal(k1, (N, D), dtype=jnp.float32)
    edge_index = jax.random.randint(k2, (2, E), 0, N, dtype=jnp.int32)
    edge_weight = jax.random.uniform(k3, (E,), dtype=jnp.float32)
    W = jax.random.normal(k4, (D, C), dtype=jnp.float32) * 0.1
    b = jnp.zeros((C,), dtype=jnp.float32)
    return {"x": x, "edge_index": edge_index, "edge_weight": edge_weight, "W": W, "b": b}


def reference(x, edge_index, edge_weight, W, b):
    # tf_geometric GCN with renorm (A + I) symmetric normalization.
    # Dropout is inactive at inference (training=None -> False).
    num_nodes = x.shape[0]
    row, col = edge_index[0], edge_index[1]
    self_idx = jnp.arange(num_nodes, dtype=row.dtype)
    row = jnp.concatenate([row, self_idx])
    col = jnp.concatenate([col, self_idx])
    w = jnp.concatenate([edge_weight, jnp.ones((num_nodes,), dtype=edge_weight.dtype)])
    # degree via scatter-add on source index
    deg = jnp.zeros((num_nodes,), dtype=w.dtype).at[row].add(w)
    dinv = jnp.power(jnp.maximum(deg, 1e-12), -0.5)
    normed_w = dinv[row] * w * dinv[col]
    # linear transform then gather-multiply-scatter aggregation
    h = x @ W
    msg = h[row] * normed_w[:, None]
    out = jnp.zeros((num_nodes, h.shape[1]), dtype=h.dtype).at[col].add(msg)
    return out + b

if __name__ == "__main__":
    import jax
    _d = setup_inputs()
    print(jax.jit(kernel)(*tuple(_d.values())))

</pallas_src>

<mosaic_0001>
#map = affine_map<(d0, d1) -> (0)>
module attributes {stable_mosaic.version = 14 : i64} {
  func.func @agg_kernel(%arg0: i32, %arg1: i32, %arg2: memref<640000xi32, #tpu.memory_space<hbm>>, %arg3: memref<320000xf32, #tpu.memory_space<hbm>>, %arg4: memref<20480xf32, #tpu.memory_space<hbm>>, %arg5: memref<20480xf32, #tpu.memory_space<hbm>>, %arg6: memref<20480xf32, #tpu.memory_space<hbm>>, %arg7: memref<10000xi32, #tpu.memory_space<vmem>>, %arg8: memref<10000xi32, #tpu.memory_space<vmem>>, %arg9: memref<10000xf32, #tpu.memory_space<vmem>>, %arg10: memref<20480xf32, #tpu.memory_space<vmem>>, %arg11: memref<20480xf32, #tpu.memory_space<vmem>>, %arg12: memref<1280xf32, #tpu.memory_space<vmem>>, %arg13: memref<1280xf32, #tpu.memory_space<vmem>>, %arg14: memref<1280xf32, #tpu.memory_space<vmem>>, %arg15: memref<16x20480xf32, #tpu.memory_space<vmem_shared>>, %arg16: memref<!tpu.dma_semaphore, #tpu.memory_space<semaphore_mem>>, %arg17: memref<!tpu.dma_semaphore, #tpu.memory_space<semaphore_mem>>, %arg18: memref<!tpu.dma_semaphore, #tpu.memory_space<semaphore_mem>>, %arg19: memref<!tpu.dma_semaphore, #tpu.memory_space<semaphore_mem>>) attributes {dimension_semantics = [#tpu.dimension_semantics<core_parallel>, #tpu.dimension_semantics<subcore_parallel>], iteration_bounds = array<i64: 2, 16>, scalar_prefetch = 0 : i64, scratch_operands = 13 : i64, tpu.core_type = #tpu.core_type<sc_vector_subcore>, window_params = [{transform_indices = #map}, {transform_indices = #map}, {transform_indices = #map}, {transform_indices = #map}, {transform_indices = #map}]} {
    %mul3A = arith.constant 2 : i32
    %mul3A_0 = arith.muli %arg1, %mul3A : i32
    %add3A = arith.addi %mul3A_0, %arg0 : i32
    tpu.enqueue_dma source(%arg4 : memref<20480xf32, #tpu.memory_space<hbm>>) target(%arg10 : memref<20480xf32, #tpu.memory_space<vmem>>) target_semaphore(%arg18 : memref<!tpu.dma_semaphore, #tpu.memory_space<semaphore_mem>>)
    %mul3A_1 = arith.constant 10000 : i32
    %mul3A_2 = arith.muli %add3A, %mul3A_1 : i32
    %dma_start3A = tpu.memref_slice %arg2[%mul3A_2] : memref<640000xi32, #tpu.memory_space<hbm>> -> memref<10000xi32, #tpu.memory_space<hbm>>
    %dma_start3A_3 = tpu.memref_slice %arg2[%mul3A_2] : memref<640000xi32, #tpu.memory_space<hbm>> -> memref<10000xi32, #tpu.memory_space<hbm>>
    tpu.enqueue_dma source(%dma_start3A_3 : memref<10000xi32, #tpu.memory_space<hbm>>) target(%arg7 : memref<10000xi32, #tpu.memory_space<vmem>>) target_semaphore(%arg16 : memref<!tpu.dma_semaphore, #tpu.memory_space<semaphore_mem>>)
    %mul3A_4 = arith.constant 10000 : i32
    %mul3A_5 = arith.muli %add3A, %mul3A_4 : i32
    %add3A_6 = arith.constant 320000 : i32
    %add3A_7 = arith.addi %add3A_6, %mul3A_5 : i32
    %dma_start3A_8 = tpu.memref_slice %arg2[%add3A_7] : memref<640000xi32, #tpu.memory_space<hbm>> -> memref<10000xi32, #tpu.memory_space<hbm>>
    %dma_start3A_9 = tpu.memref_slice %arg2[%add3A_7] : memref<640000xi32, #tpu.memory_space<hbm>> -> memref<10000xi32, #tpu.memory_space<hbm>>
    tpu.enqueue_dma source(%dma_start3A_9 : memref<10000xi32, #tpu.memory_space<hbm>>) target(%arg8 : memref<10000xi32, #tpu.memory_space<vmem>>) target_semaphore(%arg17 : memref<!tpu.dma_semaphore, #tpu.memory_space<semaphore_mem>>)
    %mul3A_10 = arith.constant 10000 : i32
    %mul3A_11 = arith.muli %add3A, %mul3A_10 : i32
    %dma_start3A_12 = tpu.memref_slice %arg3[%mul3A_11] : memref<320000xf32, #tpu.memory_space<hbm>> -> memref<10000xf32, #tpu.memory_space<hbm>>
    %dma_start3A_13 = tpu.memref_slice %arg3[%mul3A_11] : memref<320000xf32, #tpu.memory_space<hbm>> -> memref<10000xf32, #tpu.memory_space<hbm>>
    tpu.enqueue_dma source(%dma_start3A_13 : memref<10000xf32, #tpu.memory_space<hbm>>) target(%arg9 : memref<10000xf32, #tpu.memory_space<vmem>>) target_semaphore(%arg19 : memref<!tpu.dma_semaphore, #tpu.memory_space<semaphore_mem>>)
    %parallel_loop3A = arith.constant 0 : i32
    %parallel_loop3A_14 = arith.constant 1280 : i32
    %parallel_loop3A_15 = arith.constant 1 : i32
    scf.for %parallel_loop3A_42 = %parallel_loop3A to %parallel_loop3A_14 step %parallel_loop3A_15  : i32 {
      %parallel_loop3A_43 = arith.constant 0.000000e+00 : f32
      %parallel_loop3A_44 = vector.broadcast %parallel_loop3A_43 : f32 to vector<16xf32>
      %parallel_loop3A_45 = arith.constant 16 : i32
      %parallel_loop3A_46 = arith.muli %parallel_loop3A_42, %parallel_loop3A_45 : i32
      %parallel_loop3A_47 = arith.index_cast %parallel_loop3A_46 : i32 to index
      %parallel_loop3A_48 = tpu.vector_load %arg11[%parallel_loop3A_47] {strides = array<i32>} : memref<20480xf32, #tpu.memory_space<vmem>>, vector<16xf32>,
      tpu.vector_store %arg11[%parallel_loop3A_47], %parallel_loop3A_44 {strides = array<i32>} : memref<20480xf32, #tpu.memory_space<vmem>>, vector<16xf32>,
    } {sc.loop_unroll_factor = 8 : i64, sc.parallel_access}
    tpu.wait_dma2 semaphore(%arg18 : memref<!tpu.dma_semaphore, #tpu.memory_space<semaphore_mem>>) src(%arg4 : memref<20480xf32, #tpu.memory_space<hbm>>) dst(%arg10 : memref<20480xf32, #tpu.memory_space<vmem>>)
    %dma_wait3A = tpu.memref_slice %arg2[%mul3A_2] : memref<640000xi32, #tpu.memory_space<hbm>> -> memref<10000xi32, #tpu.memory_space<hbm>>
    %dma_wait3A_16 = tpu.memref_slice %arg2[%mul3A_2] : memref<640000xi32, #tpu.memory_space<hbm>> -> memref<10000xi32, #tpu.memory_space<hbm>>
    tpu.wait_dma2 semaphore(%arg16 : memref<!tpu.dma_semaphore, #tpu.memory_space<semaphore_mem>>) src(%dma_wait3A_16 : memref<10000xi32, #tpu.memory_space<hbm>>) dst(%arg7 : memref<10000xi32, #tpu.memory_space<vmem>>)
    %dma_wait3A_17 = tpu.memref_slice %arg2[%add3A_7] : memref<640000xi32, #tpu.memory_space<hbm>> -> memref<10000xi32, #tpu.memory_space<hbm>>
    %dma_wait3A_18 = tpu.memref_slice %arg2[%add3A_7] : memref<640000xi32, #tpu.memory_space<hbm>> -> memref<10000xi32, #tpu.memory_space<hbm>>
    tpu.wait_dma2 semaphore(%arg17 : memref<!tpu.dma_semaphore, #tpu.memory_space<semaphore_mem>>) src(%dma_wait3A_18 : memref<10000xi32, #tpu.memory_space<hbm>>) dst(%arg8 : memref<10000xi32, #tpu.memory_space<vmem>>)
    %dma_wait3A_19 = tpu.memref_slice %arg3[%mul3A_11] : memref<320000xf32, #tpu.memory_space<hbm>> -> memref<10000xf32, #tpu.memory_space<hbm>>
    %dma_wait3A_20 = tpu.memref_slice %arg3[%mul3A_11] : memref<320000xf32, #tpu.memory_space<hbm>> -> memref<10000xf32, #tpu.memory_space<hbm>>
    tpu.wait_dma2 semaphore(%arg19 : memref<!tpu.dma_semaphore, #tpu.memory_space<semaphore_mem>>) src(%dma_wait3A_20 : memref<10000xf32, #tpu.memory_space<hbm>>) dst(%arg9 : memref<10000xf32, #tpu.memory_space<vmem>>)
    %parallel_loop3A_21 = arith.constant 0 : i32
    %parallel_loop3A_22 = arith.constant 625 : i32
    %parallel_loop3A_23 = arith.constant 1 : i32
    %parallel_loop3A_24 = arith.constant 10240 : i32
    scf.for %parallel_loop3A_42 = %parallel_loop3A_21 to %parallel_loop3A_22 step %parallel_loop3A_23  : i32 {
      %parallel_loop3A_43 = arith.constant 16 : i32
      %parallel_loop3A_44 = arith.muli %parallel_loop3A_42, %parallel_loop3A_43 : i32
      %parallel_loop3A_45 = arith.index_cast %parallel_loop3A_44 : i32 to index
      %parallel_loop3A_46 = tpu.vector_load %arg7[%parallel_loop3A_45] {strides = array<i32>} : memref<10000xi32, #tpu.memory_space<vmem>>, vector<16xi32>,
      %parallel_loop3A_47 = arith.index_cast %parallel_loop3A_44 : i32 to index
      %parallel_loop3A_48 = tpu.vector_load %arg8[%parallel_loop3A_47] {strides = array<i32>} : memref<10000xi32, #tpu.memory_space<vmem>>, vector<16xi32>,
      %parallel_loop3A_49 = arith.index_cast %parallel_loop3A_44 : i32 to index
      %parallel_loop3A_50 = tpu.vector_load %arg9[%parallel_loop3A_49] {strides = array<i32>} : memref<10000xf32, #tpu.memory_space<vmem>>, vector<16xf32>,
      %parallel_loop3A_51 = tpu.vector_load_idx %arg10[%parallel_loop3A_46] : memref<20480xf32, #tpu.memory_space<vmem>>[vector<16xi32>], vector<16xf32>,
      %parallel_loop3A_52 = vector.broadcast %parallel_loop3A_24 : i32 to vector<16xi32>
      %parallel_loop3A_53 = arith.addi %parallel_loop3A_46, %parallel_loop3A_52 : vector<16xi32>
      %parallel_loop3A_54 = tpu.vector_load_idx %arg10[%parallel_loop3A_53] : memref<20480xf32, #tpu.memory_space<vmem>>[vector<16xi32>], vector<16xf32>,
      %parallel_loop3A_55 = arith.mulf %parallel_loop3A_51, %parallel_loop3A_50 : vector<16xf32>
      tpu.vector_store_idx %arg11[%parallel_loop3A_48], %parallel_loop3A_55 {add = true} : memref<20480xf32, #tpu.memory_space<vmem>>[vector<16xi32>], vector<16xf32>,
      %parallel_loop3A_56 = vector.broadcast %parallel_loop3A_24 : i32 to vector<16xi32>
      %parallel_loop3A_57 = arith.addi %parallel_loop3A_48, %parallel_loop3A_56 : vector<16xi32>
      %parallel_loop3A_58 = arith.mulf %parallel_loop3A_54, %parallel_loop3A_50 : vector<16xf32>
      tpu.vector_store_idx %arg11[%parallel_loop3A_57], %parallel_loop3A_58 {add = true} : memref<20480xf32, #tpu.memory_space<vmem>>[vector<16xi32>], vector<16xf32>,
    } {sc.loop_unroll_factor = 25 : i64, sc.parallel_access}
    "tpu.region"() ({
      %run_scoped3A_42 = tpu.sem_alloc : memref<!tpu.dma_semaphore, #tpu.memory_space<semaphore_mem>>
      %dma_start3A_43 = arith.constant 0 : i32
      %dma_start3A_44 = tpu.memref_slice %arg15[%arg1, %dma_start3A_43] : memref<16x20480xf32, #tpu.memory_space<vmem_shared>> -> memref<1x20480xf32, #tpu.memory_space<vmem_shared>>
      %dma_start3A_45 = tpu.memref_squeeze %dma_start3A_44 : memref<1x20480xf32, #tpu.memory_space<vmem_shared>> -> memref<20480xf32, #tpu.memory_space<vmem_shared>>
      %dma_start3A_46 = arith.constant 0 : i32
      %dma_start3A_47 = tpu.memref_slice %arg15[%arg1, %dma_start3A_46] : memref<16x20480xf32, #tpu.memory_space<vmem_shared>> -> memref<1x20480xf32, #tpu.memory_space<vmem_shared>>
      %dma_start3A_48 = tpu.memref_squeeze %dma_start3A_47 : memref<1x20480xf32, #tpu.memory_space<vmem_shared>> -> memref<20480xf32, #tpu.memory_space<vmem_shared>>
      tpu.enqueue_dma source(%arg11 : memref<20480xf32, #tpu.memory_space<vmem>>) target(%dma_start3A_48 : memref<20480xf32, #tpu.memory_space<vmem_shared>>) target_semaphore(%run_scoped3A_42 : memref<!tpu.dma_semaphore, #tpu.memory_space<semaphore_mem>>)
      %dma_wait3A_49 = arith.constant 0 : i32
      %dma_wait3A_50 = tpu.memref_slice %arg15[%arg1, %dma_wait3A_49] : memref<16x20480xf32, #tpu.memory_space<vmem_shared>> -> memref<1x20480xf32, #tpu.memory_space<vmem_shared>>
      %dma_wait3A_51 = tpu.memref_squeeze %dma_wait3A_50 : memref<1x20480xf32, #tpu.memory_space<vmem_shared>> -> memref<20480xf32, #tpu.memory_space<vmem_shared>>
      %dma_wait3A_52 = arith.constant 0 : i32
      %dma_wait3A_53 = tpu.memref_slice %arg15[%arg1, %dma_wait3A_52] : memref<16x20480xf32, #tpu.memory_space<vmem_shared>> -> memref<1x20480xf32, #tpu.memory_space<vmem_shared>>
      %dma_wait3A_54 = tpu.memref_squeeze %dma_wait3A_53 : memref<1x20480xf32, #tpu.memory_space<vmem_shared>> -> memref<20480xf32, #tpu.memory_space<vmem_shared>>
      tpu.wait_dma2 semaphore(%run_scoped3A_42 : memref<!tpu.dma_semaphore, #tpu.memory_space<semaphore_mem>>) src(%arg11 : memref<20480xf32, #tpu.memory_space<vmem>>) dst(%dma_wait3A_54 : memref<20480xf32, #tpu.memory_space<vmem_shared>>)
      tpu.yield
    }) : () -> ()
    %barrier3A = arith.constant 0 : index
    tpu.barrier barrier_id(%barrier3A)
    %mul3A_25 = arith.constant 1280 : i32
    %mul3A_26 = arith.muli %arg1, %mul3A_25 : i32
    %run_scoped3A = arith.constant 0 : i32
    "tpu.region"() ({
      %run_scoped3A_42 = tpu.sem_alloc : memref<!tpu.dma_semaphore, #tpu.memory_space<semaphore_mem>>
      %dma_start3A_43 = tpu.memref_slice %arg15[%run_scoped3A, %mul3A_26] : memref<16x20480xf32, #tpu.memory_space<vmem_shared>> -> memref<1x1280xf32, #tpu.memory_space<vmem_shared>>
      %dma_start3A_44 = tpu.memref_squeeze %dma_start3A_43 : memref<1x1280xf32, #tpu.memory_space<vmem_shared>> -> memref<1280xf32, #tpu.memory_space<vmem_shared>>
      %dma_start3A_45 = tpu.memref_slice %arg15[%run_scoped3A, %mul3A_26] : memref<16x20480xf32, #tpu.memory_space<vmem_shared>> -> memref<1x1280xf32, #tpu.memory_space<vmem_shared>>
      %dma_start3A_46 = tpu.memref_squeeze %dma_start3A_45 : memref<1x1280xf32, #tpu.memory_space<vmem_shared>> -> memref<1280xf32, #tpu.memory_space<vmem_shared>>
      tpu.enqueue_dma source(%dma_start3A_46 : memref<1280xf32, #tpu.memory_space<vmem_shared>>) target(%arg12 : memref<1280xf32, #tpu.memory_space<vmem>>) target_semaphore(%run_scoped3A_42 : memref<!tpu.dma_semaphore, #tpu.memory_space<semaphore_mem>>)
      %dma_wait3A_47 = tpu.memref_slice %arg15[%run_scoped3A, %mul3A_26] : memref<16x20480xf32, #tpu.memory_space<vmem_shared>> -> memref<1x1280xf32, #tpu.memory_space<vmem_shared>>
      %dma_wait3A_48 = tpu.memref_squeeze %dma_wait3A_47 : memref<1x1280xf32, #tpu.memory_space<vmem_shared>> -> memref<1280xf32, #tpu.memory_space<vmem_shared>>
      %dma_wait3A_49 = tpu.memref_slice %arg15[%run_scoped3A, %mul3A_26] : memref<16x20480xf32, #tpu.memory_space<vmem_shared>> -> memref<1x1280xf32, #tpu.memory_space<vmem_shared>>
      %dma_wait3A_50 = tpu.memref_squeeze %dma_wait3A_49 : memref<1x1280xf32, #tpu.memory_space<vmem_shared>> -> memref<1280xf32, #tpu.memory_space<vmem_shared>>
      tpu.wait_dma2 semaphore(%run_scoped3A_42 : memref<!tpu.dma_semaphore, #tpu.memory_space<semaphore_mem>>) src(%dma_wait3A_50 : memref<1280xf32, #tpu.memory_space<vmem_shared>>) dst(%arg12 : memref<1280xf32, #tpu.memory_space<vmem>>)
      tpu.yield
    }) : () -> ()
    %scan3A = arith.constant 0 : i32
    %scan3A_27 = arith.constant 7 : i32
    %scan3A_28 = arith.addi %scan3A, %scan3A_27 : i32
    %scan3A_29 = arith.constant 1 : i32
    scf.for %scan3A_42 = %scan3A to %scan3A_28 step %scan3A_29  : i32 {
      %mul3A_43 = arith.constant 2 : i32
      %mul3A_44 = arith.muli %scan3A_42, %mul3A_43 : i32
      %add3A_45 = arith.constant 1 : i32
      %add3A_46 = arith.addi %add3A_45, %mul3A_44 : i32
      %dma_start3A_47 = tpu.memref_slice %arg15[%add3A_46, %mul3A_26] : memref<16x20480xf32, #tpu.memory_space<vmem_shared>> -> memref<1x1280xf32, #tpu.memory_space<vmem_shared>>
      %dma_start3A_48 = tpu.memref_squeeze %dma_start3A_47 : memref<1x1280xf32, #tpu.memory_space<vmem_shared>> -> memref<1280xf32, #tpu.memory_space<vmem_shared>>
      %dma_start3A_49 = tpu.memref_slice %arg15[%add3A_46, %mul3A_26] : memref<16x20480xf32, #tpu.memory_space<vmem_shared>> -> memref<1x1280xf32, #tpu.memory_space<vmem_shared>>
      %dma_start3A_50 = tpu.memref_squeeze %dma_start3A_49 : memref<1x1280xf32, #tpu.memory_space<vmem_shared>> -> memref<1280xf32, #tpu.memory_space<vmem_shared>>
      tpu.enqueue_dma source(%dma_start3A_50 : memref<1280xf32, #tpu.memory_space<vmem_shared>>) target(%arg13 : memref<1280xf32, #tpu.memory_space<vmem>>) target_semaphore(%arg16 : memref<!tpu.dma_semaphore, #tpu.memory_space<semaphore_mem>>)
      %add3A_51 = arith.constant 1 : i32
      %add3A_52 = arith.addi %add3A_46, %add3A_51 : i32
      %dma_start3A_53 = tpu.memref_slice %arg15[%add3A_52, %mul3A_26] : memref<16x20480xf32, #tpu.memory_space<vmem_shared>> -> memref<1x1280xf32, #tpu.memory_space<vmem_shared>>
      %dma_start3A_54 = tpu.memref_squeeze %dma_start3A_53 : memref<1x1280xf32, #tpu.memory_space<vmem_shared>> -> memref<1280xf32, #tpu.memory_space<vmem_shared>>
      %dma_start3A_55 = tpu.memref_slice %arg15[%add3A_52, %mul3A_26] : memref<16x20480xf32, #tpu.memory_space<vmem_shared>> -> memref<1x1280xf32, #tpu.memory_space<vmem_shared>>
      %dma_start3A_56 = tpu.memref_squeeze %dma_start3A_55 : memref<1x1280xf32, #tpu.memory_space<vmem_shared>> -> memref<1280xf32, #tpu.memory_space<vmem_shared>>
      tpu.enqueue_dma source(%dma_start3A_56 : memref<1280xf32, #tpu.memory_space<vmem_shared>>) target(%arg14 : memref<1280xf32, #tpu.memory_space<vmem>>) target_semaphore(%arg17 : memref<!tpu.dma_semaphore, #tpu.memory_space<semaphore_mem>>)
      %dma_wait3A_57 = tpu.memref_slice %arg15[%add3A_46, %mul3A_26] : memref<16x20480xf32, #tpu.memory_space<vmem_shared>> -> memref<1x1280xf32, #tpu.memory_space<vmem_shared>>
      %dma_wait3A_58 = tpu.memref_squeeze %dma_wait3A_57 : memref<1x1280xf32, #tpu.memory_space<vmem_shared>> -> memref<1280xf32, #tpu.memory_space<vmem_shared>>
      %dma_wait3A_59 = tpu.memref_slice %arg15[%add3A_46, %mul3A_26] : memref<16x20480xf32, #tpu.memory_space<vmem_shared>> -> memref<1x1280xf32, #tpu.memory_space<vmem_shared>>
      %dma_wait3A_60 = tpu.memref_squeeze %dma_wait3A_59 : memref<1x1280xf32, #tpu.memory_space<vmem_shared>> -> memref<1280xf32, #tpu.memory_space<vmem_shared>>
      tpu.wait_dma2 semaphore(%arg16 : memref<!tpu.dma_semaphore, #tpu.memory_space<semaphore_mem>>) src(%dma_wait3A_60 : memref<1280xf32, #tpu.memory_space<vmem_shared>>) dst(%arg13 : memref<1280xf32, #tpu.memory_space<vmem>>)
      %parallel_loop3A_61 = arith.constant 0 : i32
      %parallel_loop3A_62 = arith.constant 80 : i32
      %parallel_loop3A_63 = arith.constant 1 : i32
      scf.for %parallel_loop3A_73 = %parallel_loop3A_61 to %parallel_loop3A_62 step %parallel_loop3A_63  : i32 {
        %parallel_loop3A_74 = arith.constant 16 : i32
        %parallel_loop3A_75 = arith.muli %parallel_loop3A_73, %parallel_loop3A_74 : i32
        %parallel_loop3A_76 = arith.constant 16 : i32
        %parallel_loop3A_77 = arith.muli %parallel_loop3A_73, %parallel_loop3A_76 : i32
        %parallel_loop3A_78 = arith.index_cast %parallel_loop3A_77 : i32 to index
        %parallel_loop3A_79 = tpu.vector_load %arg13[%parallel_loop3A_78] {strides = array<i32>} : memref<1280xf32, #tpu.memory_space<vmem>>, vector<16xf32>,
        %parallel_loop3A_80 = arith.index_cast %parallel_loop3A_75 : i32 to index
        %parallel_loop3A_81 = tpu.vector_load %arg12[%parallel_loop3A_80] {strides = array<i32>} : memref<1280xf32, #tpu.memory_space<vmem>>, vector<16xf32>,
        tpu.vector_store %arg12[%parallel_loop3A_80], %parallel_loop3A_79 {add = true, strides = array<i32>} : memref<1280xf32, #tpu.memory_space<vmem>>, vector<16xf32>,
      } {sc.loop_unroll_factor = 4 : i64, sc.parallel_access}
      %add3A_64 = arith.constant 1 : i32
      %add3A_65 = arith.addi %add3A_46, %add3A_64 : i32
      %dma_wait3A_66 = tpu.memref_slice %arg15[%add3A_65, %mul3A_26] : memref<16x20480xf32, #tpu.memory_space<vmem_shared>> -> memref<1x1280xf32, #tpu.memory_space<vmem_shared>>
      %dma_wait3A_67 = tpu.memref_squeeze %dma_wait3A_66 : memref<1x1280xf32, #tpu.memory_space<vmem_shared>> -> memref<1280xf32, #tpu.memory_space<vmem_shared>>
      %dma_wait3A_68 = tpu.memref_slice %arg15[%add3A_65, %mul3A_26] : memref<16x20480xf32, #tpu.memory_space<vmem_shared>> -> memref<1x1280xf32, #tpu.memory_space<vmem_shared>>
      %dma_wait3A_69 = tpu.memref_squeeze %dma_wait3A_68 : memref<1x1280xf32, #tpu.memory_space<vmem_shared>> -> memref<1280xf32, #tpu.memory_space<vmem_shared>>
      tpu.wait_dma2 semaphore(%arg17 : memref<!tpu.dma_semaphore, #tpu.memory_space<semaphore_mem>>) src(%dma_wait3A_69 : memref<1280xf32, #tpu.memory_space<vmem_shared>>) dst(%arg14 : memref<1280xf32, #tpu.memory_space<vmem>>)
      %parallel_loop3A_70 = arith.constant 0 : i32
      %parallel_loop3A_71 = arith.constant 80 : i32
      %parallel_loop3A_72 = arith.constant 1 : i32
      scf.for %parallel_loop3A_73 = %parallel_loop3A_70 to %parallel_loop3A_71 step %parallel_loop3A_72  : i32 {
        %parallel_loop3A_74 = arith.constant 16 : i32
        %parallel_loop3A_75 = arith.muli %parallel_loop3A_73, %parallel_loop3A_74 : i32
        %parallel_loop3A_76 = arith.constant 16 : i32
        %parallel_loop3A_77 = arith.muli %parallel_loop3A_73, %parallel_loop3A_76 : i32
        %parallel_loop3A_78 = arith.index_cast %parallel_loop3A_77 : i32 to index
        %parallel_loop3A_79 = tpu.vector_load %arg14[%parallel_loop3A_78] {strides = array<i32>} : memref<1280xf32, #tpu.memory_space<vmem>>, vector<16xf32>,
        %parallel_loop3A_80 = arith.index_cast %parallel_loop3A_75 : i32 to index
        %parallel_loop3A_81 = tpu.vector_load %arg12[%parallel_loop3A_80] {strides = array<i32>} : memref<1280xf32, #tpu.memory_space<vmem>>, vector<16xf32>,
        tpu.vector_store %arg12[%parallel_loop3A_80], %parallel_loop3A_79 {add = true, strides = array<i32>} : memref<1280xf32, #tpu.memory_space<vmem>>, vector<16xf32>,
      } {sc.loop_unroll_factor = 4 : i64, sc.parallel_access}
    }
    %scan3A_30 = arith.constant 7 : i32
    %run_scoped3A_31 = arith.constant 15 : i32
    "tpu.region"() ({
      %run_scoped3A_42 = tpu.sem_alloc : memref<!tpu.dma_semaphore, #tpu.memory_space<semaphore_mem>>
      %dma_start3A_43 = tpu.memref_slice %arg15[%run_scoped3A_31, %mul3A_26] : memref<16x20480xf32, #tpu.memory_space<vmem_shared>> -> memref<1x1280xf32, #tpu.memory_space<vmem_shared>>
      %dma_start3A_44 = tpu.memref_squeeze %dma_start3A_43 : memref<1x1280xf32, #tpu.memory_space<vmem_shared>> -> memref<1280xf32, #tpu.memory_space<vmem_shared>>
      %dma_start3A_45 = tpu.memref_slice %arg15[%run_scoped3A_31, %mul3A_26] : memref<16x20480xf32, #tpu.memory_space<vmem_shared>> -> memref<1x1280xf32, #tpu.memory_space<vmem_shared>>
      %dma_start3A_46 = tpu.memref_squeeze %dma_start3A_45 : memref<1x1280xf32, #tpu.memory_space<vmem_shared>> -> memref<1280xf32, #tpu.memory_space<vmem_shared>>
      tpu.enqueue_dma source(%dma_start3A_46 : memref<1280xf32, #tpu.memory_space<vmem_shared>>) target(%arg13 : memref<1280xf32, #tpu.memory_space<vmem>>) target_semaphore(%run_scoped3A_42 : memref<!tpu.dma_semaphore, #tpu.memory_space<semaphore_mem>>)
      %dma_wait3A_47 = tpu.memref_slice %arg15[%run_scoped3A_31, %mul3A_26] : memref<16x20480xf32, #tpu.memory_space<vmem_shared>> -> memref<1x1280xf32, #tpu.memory_space<vmem_shared>>
      %dma_wait3A_48 = tpu.memref_squeeze %dma_wait3A_47 : memref<1x1280xf32, #tpu.memory_space<vmem_shared>> -> memref<1280xf32, #tpu.memory_space<vmem_shared>>
      %dma_wait3A_49 = tpu.memref_slice %arg15[%run_scoped3A_31, %mul3A_26] : memref<16x20480xf32, #tpu.memory_space<vmem_shared>> -> memref<1x1280xf32, #tpu.memory_space<vmem_shared>>
      %dma_wait3A_50 = tpu.memref_squeeze %dma_wait3A_49 : memref<1x1280xf32, #tpu.memory_space<vmem_shared>> -> memref<1280xf32, #tpu.memory_space<vmem_shared>>
      tpu.wait_dma2 semaphore(%run_scoped3A_42 : memref<!tpu.dma_semaphore, #tpu.memory_space<semaphore_mem>>) src(%dma_wait3A_50 : memref<1280xf32, #tpu.memory_space<vmem_shared>>) dst(%arg13 : memref<1280xf32, #tpu.memory_space<vmem>>)
      tpu.yield
    }) : () -> ()
    %parallel_loop3A_32 = arith.constant 0 : i32
    %parallel_loop3A_33 = arith.constant 80 : i32
    %parallel_loop3A_34 = arith.constant 1 : i32
    scf.for %parallel_loop3A_42 = %parallel_loop3A_32 to %parallel_loop3A_33 step %parallel_loop3A_34  : i32 {
      %parallel_loop3A_43 = arith.constant 16 : i32
      %parallel_loop3A_44 = arith.muli %parallel_loop3A_42, %parallel_loop3A_43 : i32
      %parallel_loop3A_45 = arith.constant 16 : i32
      %parallel_loop3A_46 = arith.muli %parallel_loop3A_42, %parallel_loop3A_45 : i32
      %parallel_loop3A_47 = arith.index_cast %parallel_loop3A_46 : i32 to index
      %parallel_loop3A_48 = tpu.vector_load %arg13[%parallel_loop3A_47] {strides = array<i32>} : memref<1280xf32, #tpu.memory_space<vmem>>, vector<16xf32>,
      %parallel_loop3A_49 = arith.index_cast %parallel_loop3A_44 : i32 to index
      %parallel_loop3A_50 = tpu.vector_load %arg12[%parallel_loop3A_49] {strides = array<i32>} : memref<1280xf32, #tpu.memory_space<vmem>>, vector<16xf32>,
      tpu.vector_store %arg12[%parallel_loop3A_49], %parallel_loop3A_48 {add = true, strides = array<i32>} : memref<1280xf32, #tpu.memory_space<vmem>>, vector<16xf32>,
    } {sc.loop_unroll_factor = 4 : i64, sc.parallel_access}
    %eq3A = arith.constant 0 : i32
    %eq3A_35 = arith.cmpi eq, %arg0, %eq3A : i32
    %convert_element_type3A = arith.extui %eq3A_35 : i1 to i32
    %cond3A = arith.constant 0 : i32
    %cond3A_36 = arith.cmpi ne, %convert_element_type3A, %cond3A : i32
    scf.if %cond3A_36 {
      "tpu.region"() ({
        %run_scoped3A_42 = tpu.sem_alloc : memref<!tpu.dma_semaphore, #tpu.memory_space<semaphore_mem>>
        %dma_start3A_43 = tpu.memref_slice %arg5[%mul3A_26] : memref<20480xf32, #tpu.memory_space<hbm>> -> memref<1280xf32, #tpu.memory_space<hbm>>
        %dma_start3A_44 = tpu.memref_slice %arg5[%mul3A_26] : memref<20480xf32, #tpu.memory_space<hbm>> -> memref<1280xf32, #tpu.memory_space<hbm>>
        tpu.enqueue_dma source(%arg12 : memref<1280xf32, #tpu.memory_space<vmem>>) target(%dma_start3A_44 : memref<1280xf32, #tpu.memory_space<hbm>>) target_semaphore(%run_scoped3A_42 : memref<!tpu.dma_semaphore, #tpu.memory_space<semaphore_mem>>)
        %dma_wait3A_45 = tpu.memref_slice %arg5[%mul3A_26] : memref<20480xf32, #tpu.memory_space<hbm>> -> memref<1280xf32, #tpu.memory_space<hbm>>
        %dma_wait3A_46 = tpu.memref_slice %arg5[%mul3A_26] : memref<20480xf32, #tpu.memory_space<hbm>> -> memref<1280xf32, #tpu.memory_space<hbm>>
        tpu.wait_dma2 semaphore(%run_scoped3A_42 : memref<!tpu.dma_semaphore, #tpu.memory_space<semaphore_mem>>) src(%arg12 : memref<1280xf32, #tpu.memory_space<vmem>>) dst(%dma_wait3A_46 : memref<1280xf32, #tpu.memory_space<hbm>>)
        tpu.yield
      }) : () -> ()
    } else {
    }
    %eq3A_37 = arith.constant 1 : i32
    %eq3A_38 = arith.cmpi eq, %arg0, %eq3A_37 : i32
    %convert_element_type3A_39 = arith.extui %eq3A_38 : i1 to i32
    %cond3A_40 = arith.constant 0 : i32
    %cond3A_41 = arith.cmpi ne, %convert_element_type3A_39, %cond3A_40 : i32
    scf.if %cond3A_41 {
      "tpu.region"() ({
        %run_scoped3A_42 = tpu.sem_alloc : memref<!tpu.dma_semaphore, #tpu.memory_space<semaphore_mem>>
        %dma_start3A_43 = tpu.memref_slice %arg6[%mul3A_26] : memref<20480xf32, #tpu.memory_space<hbm>> -> memref<1280xf32, #tpu.memory_space<hbm>>
        %dma_start3A_44 = tpu.memref_slice %arg6[%mul3A_26] : memref<20480xf32, #tpu.memory_space<hbm>> -> memref<1280xf32, #tpu.memory_space<hbm>>
        tpu.enqueue_dma source(%arg12 : memref<1280xf32, #tpu.memory_space<vmem>>) target(%dma_start3A_44 : memref<1280xf32, #tpu.memory_space<hbm>>) target_semaphore(%run_scoped3A_42 : memref<!tpu.dma_semaphore, #tpu.memory_space<semaphore_mem>>)
        %dma_wait3A_45 = tpu.memref_slice %arg6[%mul3A_26] : memref<20480xf32, #tpu.memory_space<hbm>> -> memref<1280xf32, #tpu.memory_space<hbm>>
        %dma_wait3A_46 = tpu.memref_slice %arg6[%mul3A_26] : memref<20480xf32, #tpu.memory_space<hbm>> -> memref<1280xf32, #tpu.memory_space<hbm>>
        tpu.wait_dma2 semaphore(%run_scoped3A_42 : memref<!tpu.dma_semaphore, #tpu.memory_space<semaphore_mem>>) src(%arg12 : memref<1280xf32, #tpu.memory_space<vmem>>) dst(%dma_wait3A_46 : memref<1280xf32, #tpu.memory_space<hbm>>)
        tpu.yield
      }) : () -> ()
    } else {
    }
    return
  }
}

#map = affine_map<(d0, d1) -> (0)>
module attributes {stable_mosaic.version = 14 : i64} {
  func.func @deg_kernel(%arg0: i32, %arg1: i32, %arg2: memref<640000xi32, #tpu.memory_space<hbm>>, %arg3: memref<320000xf32, #tpu.memory_space<hbm>>, %arg4: memref<10240xf32, #tpu.memory_space<hbm>>, %arg5: memref<10240xf32, #tpu.memory_space<hbm>>, %arg6: memref<10000xi32, #tpu.memory_space<vmem>>, %arg7: memref<10000xf32, #tpu.memory_space<vmem>>, %arg8: memref<10240xf32, #tpu.memory_space<vmem>>, %arg9: memref<640xf32, #tpu.memory_space<vmem>>, %arg10: memref<640xf32, #tpu.memory_space<vmem>>, %arg11: memref<640xf32, #tpu.memory_space<vmem>>, %arg12: memref<16x10240xf32, #tpu.memory_space<vmem_shared>>, %arg13: memref<!tpu.dma_semaphore, #tpu.memory_space<semaphore_mem>>, %arg14: memref<!tpu.dma_semaphore, #tpu.memory_space<semaphore_mem>>) attributes {dimension_semantics = [#tpu.dimension_semantics<core_parallel>, #tpu.dimension_semantics<subcore_parallel>], iteration_bounds = array<i64: 2, 16>, scalar_prefetch = 0 : i64, scratch_operands = 9 : i64, tpu.core_type = #tpu.core_type<sc_vector_subcore>, window_params = [{transform_indices = #map}, {transform_indices = #map}, {transform_indices = #map}, {transform_indices = #map}]} {
    %mul3A = arith.constant 2 : i32
    %mul3A_0 = arith.muli %arg1, %mul3A : i32
    %add3A = arith.addi %mul3A_0, %arg0 : i32
    %mul3A_1 = arith.constant 10000 : i32
    %mul3A_2 = arith.muli %add3A, %mul3A_1 : i32
    %dma_start3A = tpu.memref_slice %arg2[%mul3A_2] : memref<640000xi32, #tpu.memory_space<hbm>> -> memref<10000xi32, #tpu.memory_space<hbm>>
    %dma_start3A_3 = tpu.memref_slice %arg2[%mul3A_2] : memref<640000xi32, #tpu.memory_space<hbm>> -> memref<10000xi32, #tpu.memory_space<hbm>>
    tpu.enqueue_dma source(%dma_start3A_3 : memref<10000xi32, #tpu.memory_space<hbm>>) target(%arg6 : memref<10000xi32, #tpu.memory_space<vmem>>) target_semaphore(%arg13 : memref<!tpu.dma_semaphore, #tpu.memory_space<semaphore_mem>>)
    %mul3A_4 = arith.constant 10000 : i32
    %mul3A_5 = arith.muli %add3A, %mul3A_4 : i32
    %dma_start3A_6 = tpu.memref_slice %arg3[%mul3A_5] : memref<320000xf32, #tpu.memory_space<hbm>> -> memref<10000xf32, #tpu.memory_space<hbm>>
    %dma_start3A_7 = tpu.memref_slice %arg3[%mul3A_5] : memref<320000xf32, #tpu.memory_space<hbm>> -> memref<10000xf32, #tpu.memory_space<hbm>>
    tpu.enqueue_dma source(%dma_start3A_7 : memref<10000xf32, #tpu.memory_space<hbm>>) target(%arg7 : memref<10000xf32, #tpu.memory_space<vmem>>) target_semaphore(%arg14 : memref<!tpu.dma_semaphore, #tpu.memory_space<semaphore_mem>>)
    %parallel_loop3A = arith.constant 0 : i32
    %parallel_loop3A_8 = arith.constant 640 : i32
    %parallel_loop3A_9 = arith.constant 1 : i32
    scf.for %parallel_loop3A_33 = %parallel_loop3A to %parallel_loop3A_8 step %parallel_loop3A_9  : i32 {
      %parallel_loop3A_34 = arith.constant 0.000000e+00 : f32
      %parallel_loop3A_35 = vector.broadcast %parallel_loop3A_34 : f32 to vector<16xf32>
      %parallel_loop3A_36 = arith.constant 16 : i32
      %parallel_loop3A_37 = arith.muli %parallel_loop3A_33, %parallel_loop3A_36 : i32
      %parallel_loop3A_38 = arith.index_cast %parallel_loop3A_37 : i32 to index
      %parallel_loop3A_39 = tpu.vector_load %arg8[%parallel_loop3A_38] {strides = array<i32>} : memref<10240xf32, #tpu.memory_space<vmem>>, vector<16xf32>,
      tpu.vector_store %arg8[%parallel_loop3A_38], %parallel_loop3A_35 {strides = array<i32>} : memref<10240xf32, #tpu.memory_space<vmem>>, vector<16xf32>,
    } {sc.loop_unroll_factor = 8 : i64, sc.parallel_access}
    %dma_wait3A = tpu.memref_slice %arg2[%mul3A_2] : memref<640000xi32, #tpu.memory_space<hbm>> -> memref<10000xi32, #tpu.memory_space<hbm>>
    %dma_wait3A_10 = tpu.memref_slice %arg2[%mul3A_2] : memref<640000xi32, #tpu.memory_space<hbm>> -> memref<10000xi32, #tpu.memory_space<hbm>>
    tpu.wait_dma2 semaphore(%arg13 : memref<!tpu.dma_semaphore, #tpu.memory_space<semaphore_mem>>) src(%dma_wait3A_10 : memref<10000xi32, #tpu.memory_space<hbm>>) dst(%arg6 : memref<10000xi32, #tpu.memory_space<vmem>>)
    %dma_wait3A_11 = tpu.memref_slice %arg3[%mul3A_5] : memref<320000xf32, #tpu.memory_space<hbm>> -> memref<10000xf32, #tpu.memory_space<hbm>>
    %dma_wait3A_12 = tpu.memref_slice %arg3[%mul3A_5] : memref<320000xf32, #tpu.memory_space<hbm>> -> memref<10000xf32, #tpu.memory_space<hbm>>
    tpu.wait_dma2 semaphore(%arg14 : memref<!tpu.dma_semaphore, #tpu.memory_space<semaphore_mem>>) src(%dma_wait3A_12 : memref<10000xf32, #tpu.memory_space<hbm>>) dst(%arg7 : memref<10000xf32, #tpu.memory_space<vmem>>)
    %parallel_loop3A_13 = arith.constant 0 : i32
    %parallel_loop3A_14 = arith.constant 625 : i32
    %parallel_loop3A_15 = arith.constant 1 : i32
    scf.for %parallel_loop3A_33 = %parallel_loop3A_13 to %parallel_loop3A_14 step %parallel_loop3A_15  : i32 {
      %parallel_loop3A_34 = arith.constant 16 : i32
      %parallel_loop3A_35 = arith.muli %parallel_loop3A_33, %parallel_loop3A_34 : i32
      %parallel_loop3A_36 = arith.index_cast %parallel_loop3A_35 : i32 to index
      %parallel_loop3A_37 = tpu.vector_load %arg6[%parallel_loop3A_36] {strides = array<i32>} : memref<10000xi32, #tpu.memory_space<vmem>>, vector<16xi32>,
      %parallel_loop3A_38 = arith.index_cast %parallel_loop3A_35 : i32 to index
      %parallel_loop3A_39 = tpu.vector_load %arg7[%parallel_loop3A_38] {strides = array<i32>} : memref<10000xf32, #tpu.memory_space<vmem>>, vector<16xf32>,
      tpu.vector_store_idx %arg8[%parallel_loop3A_37], %parallel_loop3A_39 {add = true} : memref<10240xf32, #tpu.memory_space<vmem>>[vector<16xi32>], vector<16xf32>,
    } {sc.loop_unroll_factor = 25 : i64, sc.parallel_access}
    "tpu.region"() ({
      %run_scoped3A_33 = tpu.sem_alloc : memref<!tpu.dma_semaphore, #tpu.memory_space<semaphore_mem>>
      %dma_start3A_34 = arith.constant 0 : i32
      %dma_start3A_35 = tpu.memref_slice %arg12[%arg1, %dma_start3A_34] : memref<16x10240xf32, #tpu.memory_space<vmem_shared>> -> memref<1x10240xf32, #tpu.memory_space<vmem_shared>>
      %dma_start3A_36 = tpu.memref_squeeze %dma_start3A_35 : memref<1x10240xf32, #tpu.memory_space<vmem_shared>> -> memref<10240xf32, #tpu.memory_space<vmem_shared>>
      %dma_start3A_37 = arith.constant 0 : i32
      %dma_start3A_38 = tpu.memref_slice %arg12[%arg1, %dma_start3A_37] : memref<16x10240xf32, #tpu.memory_space<vmem_shared>> -> memref<1x10240xf32, #tpu.memory_space<vmem_shared>>
      %dma_start3A_39 = tpu.memref_squeeze %dma_start3A_38 : memref<1x10240xf32, #tpu.memory_space<vmem_shared>> -> memref<10240xf32, #tpu.memory_space<vmem_shared>>
      tpu.enqueue_dma source(%arg8 : memref<10240xf32, #tpu.memory_space<vmem>>) target(%dma_start3A_39 : memref<10240xf32, #tpu.memory_space<vmem_shared>>) target_semaphore(%run_scoped3A_33 : memref<!tpu.dma_semaphore, #tpu.memory_space<semaphore_mem>>)
      %dma_wait3A_40 = arith.constant 0 : i32
      %dma_wait3A_41 = tpu.memref_slice %arg12[%arg1, %dma_wait3A_40] : memref<16x10240xf32, #tpu.memory_space<vmem_shared>> -> memref<1x10240xf32, #tpu.memory_space<vmem_shared>>
      %dma_wait3A_42 = tpu.memref_squeeze %dma_wait3A_41 : memref<1x10240xf32, #tpu.memory_space<vmem_shared>> -> memref<10240xf32, #tpu.memory_space<vmem_shared>>
      %dma_wait3A_43 = arith.constant 0 : i32
      %dma_wait3A_44 = tpu.memref_slice %arg12[%arg1, %dma_wait3A_43] : memref<16x10240xf32, #tpu.memory_space<vmem_shared>> -> memref<1x10240xf32, #tpu.memory_space<vmem_shared>>
      %dma_wait3A_45 = tpu.memref_squeeze %dma_wait3A_44 : memref<1x10240xf32, #tpu.memory_space<vmem_shared>> -> memref<10240xf32, #tpu.memory_space<vmem_shared>>
      tpu.wait_dma2 semaphore(%run_scoped3A_33 : memref<!tpu.dma_semaphore, #tpu.memory_space<semaphore_mem>>) src(%arg8 : memref<10240xf32, #tpu.memory_space<vmem>>) dst(%dma_wait3A_45 : memref<10240xf32, #tpu.memory_space<vmem_shared>>)
      tpu.yield
    }) : () -> ()
    %barrier3A = arith.constant 0 : index
    tpu.barrier barrier_id(%barrier3A)
    %mul3A_16 = arith.constant 640 : i32
    %mul3A_17 = arith.muli %arg1, %mul3A_16 : i32
    %run_scoped3A = arith.constant 0 : i32
    "tpu.region"() ({
      %run_scoped3A_33 = tpu.sem_alloc : memref<!tpu.dma_semaphore, #tpu.memory_space<semaphore_mem>>
      %dma_start3A_34 = tpu.memref_slice %arg12[%run_scoped3A, %mul3A_17] : memref<16x10240xf32, #tpu.memory_space<vmem_shared>> -> memref<1x640xf32, #tpu.memory_space<vmem_shared>>
      %dma_start3A_35 = tpu.memref_squeeze %dma_start3A_34 : memref<1x640xf32, #tpu.memory_space<vmem_shared>> -> memref<640xf32, #tpu.memory_space<vmem_shared>>
      %dma_start3A_36 = tpu.memref_slice %arg12[%run_scoped3A, %mul3A_17] : memref<16x10240xf32, #tpu.memory_space<vmem_shared>> -> memref<1x640xf32, #tpu.memory_space<vmem_shared>>
      %dma_start3A_37 = tpu.memref_squeeze %dma_start3A_36 : memref<1x640xf32, #tpu.memory_space<vmem_shared>> -> memref<640xf32, #tpu.memory_space<vmem_shared>>
      tpu.enqueue_dma source(%dma_start3A_37 : memref<640xf32, #tpu.memory_space<vmem_shared>>) target(%arg9 : memref<640xf32, #tpu.memory_space<vmem>>) target_semaphore(%run_scoped3A_33 : memref<!tpu.dma_semaphore, #tpu.memory_space<semaphore_mem>>)
      %dma_wait3A_38 = tpu.memref_slice %arg12[%run_scoped3A, %mul3A_17] : memref<16x10240xf32, #tpu.memory_space<vmem_shared>> -> memref<1x640xf32, #tpu.memory_space<vmem_shared>>
      %dma_wait3A_39 = tpu.memref_squeeze %dma_wait3A_38 : memref<1x640xf32, #tpu.memory_space<vmem_shared>> -> memref<640xf32, #tpu.memory_space<vmem_shared>>
      %dma_wait3A_40 = tpu.memref_slice %arg12[%run_scoped3A, %mul3A_17] : memref<16x10240xf32, #tpu.memory_space<vmem_shared>> -> memref<1x640xf32, #tpu.memory_space<vmem_shared>>
      %dma_wait3A_41 = tpu.memref_squeeze %dma_wait3A_40 : memref<1x640xf32, #tpu.memory_space<vmem_shared>> -> memref<640xf32, #tpu.memory_space<vmem_shared>>
      tpu.wait_dma2 semaphore(%run_scoped3A_33 : memref<!tpu.dma_semaphore, #tpu.memory_space<semaphore_mem>>) src(%dma_wait3A_41 : memref<640xf32, #tpu.memory_space<vmem_shared>>) dst(%arg9 : memref<640xf32, #tpu.memory_space<vmem>>)
      tpu.yield
    }) : () -> ()
    %scan3A = arith.constant 0 : i32
    %scan3A_18 = arith.constant 7 : i32
    %scan3A_19 = arith.addi %scan3A, %scan3A_18 : i32
    %scan3A_20 = arith.constant 1 : i32
    scf.for %scan3A_33 = %scan3A to %scan3A_19 step %scan3A_20  : i32 {
      %mul3A_34 = arith.constant 2 : i32
      %mul3A_35 = arith.muli %scan3A_33, %mul3A_34 : i32
      %add3A_36 = arith.constant 1 : i32
      %add3A_37 = arith.addi %add3A_36, %mul3A_35 : i32
      %dma_start3A_38 = tpu.memref_slice %arg12[%add3A_37, %mul3A_17] : memref<16x10240xf32, #tpu.memory_space<vmem_shared>> -> memref<1x640xf32, #tpu.memory_space<vmem_shared>>
      %dma_start3A_39 = tpu.memref_squeeze %dma_start3A_38 : memref<1x640xf32, #tpu.memory_space<vmem_shared>> -> memref<640xf32, #tpu.memory_space<vmem_shared>>
      %dma_start3A_40 = tpu.memref_slice %arg12[%add3A_37, %mul3A_17] : memref<16x10240xf32, #tpu.memory_space<vmem_shared>> -> memref<1x640xf32, #tpu.memory_space<vmem_shared>>
      %dma_start3A_41 = tpu.memref_squeeze %dma_start3A_40 : memref<1x640xf32, #tpu.memory_space<vmem_shared>> -> memref<640xf32, #tpu.memory_space<vmem_shared>>
      tpu.enqueue_dma source(%dma_start3A_41 : memref<640xf32, #tpu.memory_space<vmem_shared>>) target(%arg10 : memref<640xf32, #tpu.memory_space<vmem>>) target_semaphore(%arg13 : memref<!tpu.dma_semaphore, #tpu.memory_space<semaphore_mem>>)
      %add3A_42 = arith.constant 1 : i32
      %add3A_43 = arith.addi %add3A_37, %add3A_42 : i32
      %dma_start3A_44 = tpu.memref_slice %arg12[%add3A_43, %mul3A_17] : memref<16x10240xf32, #tpu.memory_space<vmem_shared>> -> memref<1x640xf32, #tpu.memory_space<vmem_shared>>
      %dma_start3A_45 = tpu.memref_squeeze %dma_start3A_44 : memref<1x640xf32, #tpu.memory_space<vmem_shared>> -> memref<640xf32, #tpu.memory_space<vmem_shared>>
      %dma_start3A_46 = tpu.memref_slice %arg12[%add3A_43, %mul3A_17] : memref<16x10240xf32, #tpu.memory_space<vmem_shared>> -> memref<1x640xf32, #tpu.memory_space<vmem_shared>>
      %dma_start3A_47 = tpu.memref_squeeze %dma_start3A_46 : memref<1x640xf32, #tpu.memory_space<vmem_shared>> -> memref<640xf32, #tpu.memory_space<vmem_shared>>
      tpu.enqueue_dma source(%dma_start3A_47 : memref<640xf32, #tpu.memory_space<vmem_shared>>) target(%arg11 : memref<640xf32, #tpu.memory_space<vmem>>) target_semaphore(%arg14 : memref<!tpu.dma_semaphore, #tpu.memory_space<semaphore_mem>>)
      %dma_wait3A_48 = tpu.memref_slice %arg12[%add3A_37, %mul3A_17] : memref<16x10240xf32, #tpu.memory_space<vmem_shared>> -> memref<1x640xf32, #tpu.memory_space<vmem_shared>>
      %dma_wait3A_49 = tpu.memref_squeeze %dma_wait3A_48 : memref<1x640xf32, #tpu.memory_space<vmem_shared>> -> memref<640xf32, #tpu.memory_space<vmem_shared>>
      %dma_wait3A_50 = tpu.memref_slice %arg12[%add3A_37, %mul3A_17] : memref<16x10240xf32, #tpu.memory_space<vmem_shared>> -> memref<1x640xf32, #tpu.memory_space<vmem_shared>>
      %dma_wait3A_51 = tpu.memref_squeeze %dma_wait3A_50 : memref<1x640xf32, #tpu.memory_space<vmem_shared>> -> memref<640xf32, #tpu.memory_space<vmem_shared>>
      tpu.wait_dma2 semaphore(%arg13 : memref<!tpu.dma_semaphore, #tpu.memory_space<semaphore_mem>>) src(%dma_wait3A_51 : memref<640xf32, #tpu.memory_space<vmem_shared>>) dst(%arg10 : memref<640xf32, #tpu.memory_space<vmem>>)
      %parallel_loop3A_52 = arith.constant 0 : i32
      %parallel_loop3A_53 = arith.constant 40 : i32
      %parallel_loop3A_54 = arith.constant 1 : i32
      scf.for %parallel_loop3A_64 = %parallel_loop3A_52 to %parallel_loop3A_53 step %parallel_loop3A_54  : i32 {
        %parallel_loop3A_65 = arith.constant 16 : i32
        %parallel_loop3A_66 = arith.muli %parallel_loop3A_64, %parallel_loop3A_65 : i32
        %parallel_loop3A_67 = arith.constant 16 : i32
        %parallel_loop3A_68 = arith.muli %parallel_loop3A_64, %parallel_loop3A_67 : i32
        %parallel_loop3A_69 = arith.index_cast %parallel_loop3A_68 : i32 to index
        %parallel_loop3A_70 = tpu.vector_load %arg10[%parallel_loop3A_69] {strides = array<i32>} : memref<640xf32, #tpu.memory_space<vmem>>, vector<16xf32>,
        %parallel_loop3A_71 = arith.index_cast %parallel_loop3A_66 : i32 to index
        %parallel_loop3A_72 = tpu.vector_load %arg9[%parallel_loop3A_71] {strides = array<i32>} : memref<640xf32, #tpu.memory_space<vmem>>, vector<16xf32>,
        tpu.vector_store %arg9[%parallel_loop3A_71], %parallel_loop3A_70 {add = true, strides = array<i32>} : memref<640xf32, #tpu.memory_space<vmem>>, vector<16xf32>,
      } {sc.loop_unroll_factor = 4 : i64, sc.parallel_access}
      %add3A_55 = arith.constant 1 : i32
      %add3A_56 = arith.addi %add3A_37, %add3A_55 : i32
      %dma_wait3A_57 = tpu.memref_slice %arg12[%add3A_56, %mul3A_17] : memref<16x10240xf32, #tpu.memory_space<vmem_shared>> -> memref<1x640xf32, #tpu.memory_space<vmem_shared>>
      %dma_wait3A_58 = tpu.memref_squeeze %dma_wait3A_57 : memref<1x640xf32, #tpu.memory_space<vmem_shared>> -> memref<640xf32, #tpu.memory_space<vmem_shared>>
      %dma_wait3A_59 = tpu.memref_slice %arg12[%add3A_56, %mul3A_17] : memref<16x10240xf32, #tpu.memory_space<vmem_shared>> -> memref<1x640xf32, #tpu.memory_space<vmem_shared>>
      %dma_wait3A_60 = tpu.memref_squeeze %dma_wait3A_59 : memref<1x640xf32, #tpu.memory_space<vmem_shared>> -> memref<640xf32, #tpu.memory_space<vmem_shared>>
      tpu.wait_dma2 semaphore(%arg14 : memref<!tpu.dma_semaphore, #tpu.memory_space<semaphore_mem>>) src(%dma_wait3A_60 : memref<640xf32, #tpu.memory_space<vmem_shared>>) dst(%arg11 : memref<640xf32, #tpu.memory_space<vmem>>)
      %parallel_loop3A_61 = arith.constant 0 : i32
      %parallel_loop3A_62 = arith.constant 40 : i32
      %parallel_loop3A_63 = arith.constant 1 : i32
      scf.for %parallel_loop3A_64 = %parallel_loop3A_61 to %parallel_loop3A_62 step %parallel_loop3A_63  : i32 {
        %parallel_loop3A_65 = arith.constant 16 : i32
        %parallel_loop3A_66 = arith.muli %parallel_loop3A_64, %parallel_loop3A_65 : i32
        %parallel_loop3A_67 = arith.constant 16 : i32
        %parallel_loop3A_68 = arith.muli %parallel_loop3A_64, %parallel_loop3A_67 : i32
        %parallel_loop3A_69 = arith.index_cast %parallel_loop3A_68 : i32 to index
        %parallel_loop3A_70 = tpu.vector_load %arg11[%parallel_loop3A_69] {strides = array<i32>} : memref<640xf32, #tpu.memory_space<vmem>>, vector<16xf32>,
        %parallel_loop3A_71 = arith.index_cast %parallel_loop3A_66 : i32 to index
        %parallel_loop3A_72 = tpu.vector_load %arg9[%parallel_loop3A_71] {strides = array<i32>} : memref<640xf32, #tpu.memory_space<vmem>>, vector<16xf32>,
        tpu.vector_store %arg9[%parallel_loop3A_71], %parallel_loop3A_70 {add = true, strides = array<i32>} : memref<640xf32, #tpu.memory_space<vmem>>, vector<16xf32>,
      } {sc.loop_unroll_factor = 4 : i64, sc.parallel_access}
    }
    %scan3A_21 = arith.constant 7 : i32
    %run_scoped3A_22 = arith.constant 15 : i32
    "tpu.region"() ({
      %run_scoped3A_33 = tpu.sem_alloc : memref<!tpu.dma_semaphore, #tpu.memory_space<semaphore_mem>>
      %dma_start3A_34 = tpu.memref_slice %arg12[%run_scoped3A_22, %mul3A_17] : memref<16x10240xf32, #tpu.memory_space<vmem_shared>> -> memref<1x640xf32, #tpu.memory_space<vmem_shared>>
      %dma_start3A_35 = tpu.memref_squeeze %dma_start3A_34 : memref<1x640xf32, #tpu.memory_space<vmem_shared>> -> memref<640xf32, #tpu.memory_space<vmem_shared>>
      %dma_start3A_36 = tpu.memref_slice %arg12[%run_scoped3A_22, %mul3A_17] : memref<16x10240xf32, #tpu.memory_space<vmem_shared>> -> memref<1x640xf32, #tpu.memory_space<vmem_shared>>
      %dma_start3A_37 = tpu.memref_squeeze %dma_start3A_36 : memref<1x640xf32, #tpu.memory_space<vmem_shared>> -> memref<640xf32, #tpu.memory_space<vmem_shared>>
      tpu.enqueue_dma source(%dma_start3A_37 : memref<640xf32, #tpu.memory_space<vmem_shared>>) target(%arg10 : memref<640xf32, #tpu.memory_space<vmem>>) target_semaphore(%run_scoped3A_33 : memref<!tpu.dma_semaphore, #tpu.memory_space<semaphore_mem>>)
      %dma_wait3A_38 = tpu.memref_slice %arg12[%run_scoped3A_22, %mul3A_17] : memref<16x10240xf32, #tpu.memory_space<vmem_shared>> -> memref<1x640xf32, #tpu.memory_space<vmem_shared>>
      %dma_wait3A_39 = tpu.memref_squeeze %dma_wait3A_38 : memref<1x640xf32, #tpu.memory_space<vmem_shared>> -> memref<640xf32, #tpu.memory_space<vmem_shared>>
      %dma_wait3A_40 = tpu.memref_slice %arg12[%run_scoped3A_22, %mul3A_17] : memref<16x10240xf32, #tpu.memory_space<vmem_shared>> -> memref<1x640xf32, #tpu.memory_space<vmem_shared>>
      %dma_wait3A_41 = tpu.memref_squeeze %dma_wait3A_40 : memref<1x640xf32, #tpu.memory_space<vmem_shared>> -> memref<640xf32, #tpu.memory_space<vmem_shared>>
      tpu.wait_dma2 semaphore(%run_scoped3A_33 : memref<!tpu.dma_semaphore, #tpu.memory_space<semaphore_mem>>) src(%dma_wait3A_41 : memref<640xf32, #tpu.memory_space<vmem_shared>>) dst(%arg10 : memref<640xf32, #tpu.memory_space<vmem>>)
      tpu.yield
    }) : () -> ()
    %parallel_loop3A_23 = arith.constant 0 : i32
    %parallel_loop3A_24 = arith.constant 40 : i32
    %parallel_loop3A_25 = arith.constant 1 : i32
    scf.for %parallel_loop3A_33 = %parallel_loop3A_23 to %parallel_loop3A_24 step %parallel_loop3A_25  : i32 {
      %parallel_loop3A_34 = arith.constant 16 : i32
      %parallel_loop3A_35 = arith.muli %parallel_loop3A_33, %parallel_loop3A_34 : i32
      %parallel_loop3A_36 = arith.constant 16 : i32
      %parallel_loop3A_37 = arith.muli %parallel_loop3A_33, %parallel_loop3A_36 : i32
      %parallel_loop3A_38 = arith.index_cast %parallel_loop3A_37 : i32 to index
      %parallel_loop3A_39 = tpu.vector_load %arg10[%parallel_loop3A_38] {strides = array<i32>} : memref<640xf32, #tpu.memory_space<vmem>>, vector<16xf32>,
      %parallel_loop3A_40 = arith.index_cast %parallel_loop3A_35 : i32 to index
      %parallel_loop3A_41 = tpu.vector_load %arg9[%parallel_loop3A_40] {strides = array<i32>} : memref<640xf32, #tpu.memory_space<vmem>>, vector<16xf32>,
      tpu.vector_store %arg9[%parallel_loop3A_40], %parallel_loop3A_39 {add = true, strides = array<i32>} : memref<640xf32, #tpu.memory_space<vmem>>, vector<16xf32>,
    } {sc.loop_unroll_factor = 4 : i64, sc.parallel_access}
    %eq3A = arith.constant 0 : i32
    %eq3A_26 = arith.cmpi eq, %arg0, %eq3A : i32
    %convert_element_type3A = arith.extui %eq3A_26 : i1 to i32
    %cond3A = arith.constant 0 : i32
    %cond3A_27 = arith.cmpi ne, %convert_element_type3A, %cond3A : i32
    scf.if %cond3A_27 {
      "tpu.region"() ({
        %run_scoped3A_33 = tpu.sem_alloc : memref<!tpu.dma_semaphore, #tpu.memory_space<semaphore_mem>>
        %dma_start3A_34 = tpu.memref_slice %arg4[%mul3A_17] : memref<10240xf32, #tpu.memory_space<hbm>> -> memref<640xf32, #tpu.memory_space<hbm>>
        %dma_start3A_35 = tpu.memref_slice %arg4[%mul3A_17] : memref<10240xf32, #tpu.memory_space<hbm>> -> memref<640xf32, #tpu.memory_space<hbm>>
        tpu.enqueue_dma source(%arg9 : memref<640xf32, #tpu.memory_space<vmem>>) target(%dma_start3A_35 : memref<640xf32, #tpu.memory_space<hbm>>) target_semaphore(%run_scoped3A_33 : memref<!tpu.dma_semaphore, #tpu.memory_space<semaphore_mem>>)
        %dma_wait3A_36 = tpu.memref_slice %arg4[%mul3A_17] : memref<10240xf32, #tpu.memory_space<hbm>> -> memref<640xf32, #tpu.memory_space<hbm>>
        %dma_wait3A_37 = tpu.memref_slice %arg4[%mul3A_17] : memref<10240xf32, #tpu.memory_space<hbm>> -> memref<640xf32, #tpu.memory_space<hbm>>
        tpu.wait_dma2 semaphore(%run_scoped3A_33 : memref<!tpu.dma_semaphore, #tpu.memory_space<semaphore_mem>>) src(%arg9 : memref<640xf32, #tpu.memory_space<vmem>>) dst(%dma_wait3A_37 : memref<640xf32, #tpu.memory_space<hbm>>)
        tpu.yield
      }) : () -> ()
    } else {
    }
    %eq3A_28 = arith.constant 1 : i32
    %eq3A_29 = arith.cmpi eq, %arg0, %eq3A_28 : i32
    %convert_element_type3A_30 = arith.extui %eq3A_29 : i1 to i32
    %cond3A_31 = arith.constant 0 : i32
    %cond3A_32 = arith.cmpi ne, %convert_element_type3A_30, %cond3A_31 : i32
    scf.if %cond3A_32 {
      "tpu.region"() ({
        %run_scoped3A_33 = tpu.sem_alloc : memref<!tpu.dma_semaphore, #tpu.memory_space<semaphore_mem>>
        %dma_start3A_34 = tpu.memref_slice %arg5[%mul3A_17] : memref<10240xf32, #tpu.memory_space<hbm>> -> memref<640xf32, #tpu.memory_space<hbm>>
        %dma_start3A_35 = tpu.memref_slice %arg5[%mul3A_17] : memref<10240xf32, #tpu.memory_space<hbm>> -> memref<640xf32, #tpu.memory_space<hbm>>
        tpu.enqueue_dma source(%arg9 : memref<640xf32, #tpu.memory_space<vmem>>) target(%dma_start3A_35 : memref<640xf32, #tpu.memory_space<hbm>>) target_semaphore(%run_scoped3A_33 : memref<!tpu.dma_semaphore, #tpu.memory_space<semaphore_mem>>)
        %dma_wait3A_36 = tpu.memref_slice %arg5[%mul3A_17] : memref<10240xf32, #tpu.memory_space<hbm>> -> memref<640xf32, #tpu.memory_space<hbm>>
        %dma_wait3A_37 = tpu.memref_slice %arg5[%mul3A_17] : memref<10240xf32, #tpu.memory_space<hbm>> -> memref<640xf32, #tpu.memory_space<hbm>>
        tpu.wait_dma2 semaphore(%run_scoped3A_33 : memref<!tpu.dma_semaphore, #tpu.memory_space<semaphore_mem>>) src(%arg9 : memref<640xf32, #tpu.memory_space<vmem>>) dst(%dma_wait3A_37 : memref<640xf32, #tpu.memory_space<hbm>>)
        tpu.yield
      }) : () -> ()
    } else {
    }
    return
  }
}

module attributes {stable_mosaic.version = 14 : i64} {
  func.func @_tc_mm_body(%arg0: memref<10000x128xf32, #tpu.memory_space<vmem>>, %arg1: memref<128x2xf32, #tpu.memory_space<vmem>>, %arg2: memref<20480xf32, #tpu.memory_space<vmem>>) attributes {dimension_semantics = [], scalar_prefetch = 0 : i64, scratch_operands = 0 : i64, tpu.core_type = #tpu.core_type<tc>} {
    %get3A = arith.constant 0 : index
    %get3A_0 = arith.constant 0 : index
    %get3A_1 = vector.load %arg1[%get3A, %get3A_0] : memref<128x2xf32, #tpu.memory_space<vmem>>, vector<128x2xf32>
    %get3A_2 = arith.constant 0 : index
    %get3A_3 = arith.constant 0 : index
    %get3A_4 = vector.load %arg0[%get3A_2, %get3A_3] : memref<10000x128xf32, #tpu.memory_space<vmem>>, vector<10000x128xf32>
    %dot_general3A = arith.constant dense<0.000000e+00> : vector<2x10000xf32>
    %dot_general3A_5 = tpu.matmul %get3A_1, %get3A_4, %dot_general3A {dimension_numbers = #tpu.dot_dimension_numbers<[0], [1], [1], [0], [0, 1, 1, 0], [], []>, transpose_lhs_hint = false} : vector<128x2xf32>, vector<10000x128xf32>, vector<2x10000xf32> -> vector<2x10000xf32>
    %slice3A = vector.extract_strided_slice %dot_general3A_5 {offsets = [0, 0], sizes = [1, 10000], strides = [1, 1]} : vector<2x10000xf32> to vector<1x10000xf32>
    %squeeze3A = vector.shape_cast %slice3A : vector<1x10000xf32> to vector<10000xf32>
    %swap3A = arith.constant 0 : index
    %swap3A_6 = vector.load %arg2[%swap3A] : memref<20480xf32, #tpu.memory_space<vmem>>, vector<10000xf32>
    tpu.vector_store %arg2[%swap3A], %squeeze3A {strides = array<i32>} : memref<20480xf32, #tpu.memory_space<vmem>>, vector<10000xf32>,
    %broadcast_in_dim3A = arith.constant 0.000000e+00 : f32
    %broadcast_in_dim3A_7 = vector.broadcast %broadcast_in_dim3A : f32 to vector<240xf32>
    %swap3A_8 = arith.constant 10000 : index
    %swap3A_9 = vector.load %arg2[%swap3A_8] : memref<20480xf32, #tpu.memory_space<vmem>>, vector<240xf32>
    tpu.vector_store %arg2[%swap3A_8], %broadcast_in_dim3A_7 {strides = array<i32>} : memref<20480xf32, #tpu.memory_space<vmem>>, vector<240xf32>,
    %slice3A_10 = vector.extract_strided_slice %dot_general3A_5 {offsets = [1, 0], sizes = [1, 10000], strides = [1, 1]} : vector<2x10000xf32> to vector<1x10000xf32>
    %squeeze3A_11 = vector.shape_cast %slice3A_10 : vector<1x10000xf32> to vector<10000xf32>
    %swap3A_12 = arith.constant 10240 : index
    %swap3A_13 = vector.load %arg2[%swap3A_12] : memref<20480xf32, #tpu.memory_space<vmem>>, vector<10000xf32>
    tpu.vector_store %arg2[%swap3A_12], %squeeze3A_11 {strides = array<i32>} : memref<20480xf32, #tpu.memory_space<vmem>>, vector<10000xf32>,
    %broadcast_in_dim3A_14 = arith.constant 0.000000e+00 : f32
    %broadcast_in_dim3A_15 = vector.broadcast %broadcast_in_dim3A_14 : f32 to vector<240xf32>
    %swap3A_16 = arith.constant 20240 : index
    %swap3A_17 = vector.load %arg2[%swap3A_16] : memref<20480xf32, #tpu.memory_space<vmem>>, vector<240xf32>
    tpu.vector_store %arg2[%swap3A_16], %broadcast_in_dim3A_15 {strides = array<i32>} : memref<20480xf32, #tpu.memory_space<vmem>>, vector<240xf32>,
    return
  }
}

module attributes {stable_mosaic.version = 14 : i64} {
  func.func @_tc_norm_body(%arg0: memref<10240xf32, #tpu.memory_space<vmem>>, %arg1: memref<10240xf32, #tpu.memory_space<vmem>>, %arg2: memref<20480xf32, #tpu.memory_space<vmem>>, %arg3: memref<20480xf32, #tpu.memory_space<vmem>>, %arg4: memref<10240xf32, #tpu.memory_space<vmem>>) attributes {dimension_semantics = [], scalar_prefetch = 0 : i64, scratch_operands = 0 : i64, tpu.core_type = #tpu.core_type<tc>} {
    %get3A = arith.constant 0 : index
    %get3A_0 = vector.load %arg0[%get3A] : memref<10240xf32, #tpu.memory_space<vmem>>, vector<10240xf32>
    %get3A_1 = arith.constant 0 : index
    %get3A_2 = vector.load %arg1[%get3A_1] : memref<10240xf32, #tpu.memory_space<vmem>>, vector<10240xf32>
    %add3A = arith.addf %get3A_0, %get3A_2 : vector<10240xf32>
    %add3A_3 = arith.constant 1.000000e+00 : f32
    %add3A_4 = vector.broadcast %add3A_3 : f32 to vector<10240xf32>
    %add3A_5 = arith.addf %add3A, %add3A_4 : vector<10240xf32>
    %max3A = arith.constant 9.99999996E-13 : f32
    %max3A_6 = vector.broadcast %max3A : f32 to vector<10240xf32>
    %max3A_7 = arith.maximumf %add3A_5, %max3A_6 : vector<10240xf32>
    %rsqrt3A = math.rsqrt %max3A_7 : vector<10240xf32>
    %swap3A = arith.constant 0 : index
    %swap3A_8 = vector.load %arg4[%swap3A] : memref<10240xf32, #tpu.memory_space<vmem>>, vector<10240xf32>
    tpu.vector_store %arg4[%swap3A], %rsqrt3A {strides = array<i32>} : memref<10240xf32, #tpu.memory_space<vmem>>, vector<10240xf32>,
    %get3A_9 = arith.constant 0 : index
    %get3A_10 = vector.load %arg2[%get3A_9] : memref<20480xf32, #tpu.memory_space<vmem>>, vector<10240xf32>
    %mul3A = arith.mulf %get3A_10, %rsqrt3A : vector<10240xf32>
    %swap3A_11 = arith.constant 0 : index
    %swap3A_12 = vector.load %arg3[%swap3A_11] : memref<20480xf32, #tpu.memory_space<vmem>>, vector<10240xf32>
    tpu.vector_store %arg3[%swap3A_11], %mul3A {strides = array<i32>} : memref<20480xf32, #tpu.memory_space<vmem>>, vector<10240xf32>,
    %get3A_13 = arith.constant 10240 : index
    %get3A_14 = vector.load %arg2[%get3A_13] : memref<20480xf32, #tpu.memory_space<vmem>>, vector<10240xf32>
    %mul3A_15 = arith.mulf %get3A_14, %rsqrt3A : vector<10240xf32>
    %swap3A_16 = arith.constant 10240 : index
    %swap3A_17 = vector.load %arg3[%swap3A_16] : memref<20480xf32, #tpu.memory_space<vmem>>, vector<10240xf32>
    tpu.vector_store %arg3[%swap3A_16], %mul3A_15 {strides = array<i32>} : memref<20480xf32, #tpu.memory_space<vmem>>, vector<10240xf32>,
    return
  }
}

module attributes {stable_mosaic.version = 14 : i64} {
  func.func @_tc_out_body(%arg0: memref<20480xf32, #tpu.memory_space<vmem>>, %arg1: memref<20480xf32, #tpu.memory_space<vmem>>, %arg2: memref<20480xf32, #tpu.memory_space<vmem>>, %arg3: memref<10240xf32, #tpu.memory_space<vmem>>, %arg4: memref<1x2xf32, #tpu.memory_space<vmem>>, %arg5: memref<10240x2xf32, #tpu.memory_space<vmem>>) attributes {dimension_semantics = [], scalar_prefetch = 0 : i64, scratch_operands = 0 : i64, tpu.core_type = #tpu.core_type<tc>} {
    %get3A = arith.constant 0 : index
    %get3A_0 = vector.load %arg3[%get3A] : memref<10240xf32, #tpu.memory_space<vmem>>, vector<10240xf32>
    %get3A_1 = arith.constant 0 : index
    %get3A_2 = vector.load %arg0[%get3A_1] : memref<20480xf32, #tpu.memory_space<vmem>>, vector<10240xf32>
    %get3A_3 = arith.constant 0 : index
    %get3A_4 = vector.load %arg1[%get3A_3] : memref<20480xf32, #tpu.memory_space<vmem>>, vector<10240xf32>
    %add3A = arith.addf %get3A_2, %get3A_4 : vector<10240xf32>
    %get3A_5 = arith.constant 0 : index
    %get3A_6 = vector.load %arg2[%get3A_5] : memref<20480xf32, #tpu.memory_space<vmem>>, vector<10240xf32>
    %add3A_7 = arith.addf %add3A, %get3A_6 : vector<10240xf32>
    %mul3A = arith.mulf %get3A_0, %add3A_7 : vector<10240xf32>
    %broadcast_in_dim3A = vector.shape_cast %mul3A : vector<10240xf32> to vector<1x10240xf32>
    %get3A_8 = arith.constant 10240 : index
    %get3A_9 = vector.load %arg0[%get3A_8] : memref<20480xf32, #tpu.memory_space<vmem>>, vector<10240xf32>
    %get3A_10 = arith.constant 10240 : index
    %get3A_11 = vector.load %arg1[%get3A_10] : memref<20480xf32, #tpu.memory_space<vmem>>, vector<10240xf32>
    %add3A_12 = arith.addf %get3A_9, %get3A_11 : vector<10240xf32>
    %get3A_13 = arith.constant 10240 : index
    %get3A_14 = vector.load %arg2[%get3A_13] : memref<20480xf32, #tpu.memory_space<vmem>>, vector<10240xf32>
    %add3A_15 = arith.addf %add3A_12, %get3A_14 : vector<10240xf32>
    %mul3A_16 = arith.mulf %get3A_0, %add3A_15 : vector<10240xf32>
    %broadcast_in_dim3A_17 = vector.shape_cast %mul3A_16 : vector<10240xf32> to vector<1x10240xf32>
    %concatenate3A = tpu.concatenate %broadcast_in_dim3A, %broadcast_in_dim3A_17 in 0 : vector<1x10240xf32>, vector<1x10240xf32> -> vector<2x10240xf32>
    %transpose3A = tpu.transpose %concatenate3A, [1, 0] : vector<2x10240xf32> -> vector<10240x2xf32>
    %get3A_18 = arith.constant 0 : index
    %get3A_19 = arith.constant 0 : index
    %get3A_20 = vector.load %arg4[%get3A_18, %get3A_19] : memref<1x2xf32, #tpu.memory_space<vmem>>, vector<1x2xf32>
    %add3A_21 = vector.broadcast %get3A_20 : vector<1x2xf32> to vector<10240x2xf32>
    %add3A_22 = arith.addf %transpose3A, %add3A_21 : vector<10240x2xf32>
    %swap3A = arith.constant 0 : index
    %swap3A_23 = arith.constant 0 : index
    %swap3A_24 = vector.load %arg5[%swap3A, %swap3A_23] : memref<10240x2xf32, #tpu.memory_space<vmem>>, vector<10240x2xf32>
    tpu.vector_store %arg5[%swap3A, %swap3A_23], %add3A_22 {strides = array<i32>} : memref<10240x2xf32, #tpu.memory_space<vmem>>, vector<10240x2xf32>,
    return
  }
}

</mosaic_0001>

<sc_bundles>
// kernel: kernel.10.cloned.1.call-start
scs
__scs_entry_jumppad:
0x0: {  	(pc) =	sbr.rel $0x88, $3  }
0x1: {  	(tag) =	ssettag $0x0;
	lr =	simm.s32 $0x1  }
0x2: {  	[smem:$0x3F9C] =	sst lr;
	_ =	strace $0xD0000000  }
0x3: {  	_ = 	snop  }
0x4: {  	_ = 	snop  }
0x5: {  	_ = 	snop  }
0x6: {  	_ = 	snop  }
0x7: {  	_ = 	snop  }
__scs_overlays_trampoline_lowered:
0x8: {  	[smem:$0x3FAB] =	sst s0  }
0x9: {  	[smem:$0x3FAC] =	sst s1  }
0xa: {  	[smem:$0x3FAD] =	sst s2  }
0xb: {  	[smem:$0x3FAE] =	sst s3  }
0xc: {  	[smem:$0x3FAF] =	sst s4  }
0xd: {  	[smem:$0x3FB0] =	sst s5  }
0xe: {  	[smem:$0x3FB1] =	sst s6  }
0xf: {  	[smem:$0x3FB2] =	sst s7  }
0x10: {  	[smem:$0x3FB3] =	sst s8  }
0x11: {  	[smem:$0x3FB4] =	sst s9;
	s0 =	simm.s32 @!p0 $0x0  }
0x12: {  	s1 =	sld [smem:$0x3F9A];
	s0 =	simm.s32 @p0 $0x1  }
0x13: {  	[smem:$0x3FB5] =	sst s0;
	s0 =	simm.s32 @!p1 $0x0  }
0x14: {  	s2 =	sld [smem:$0x3F99];
	s0 =	simm.s32 @p1 $0x1  }
0x15: {  	[smem:$0x3FB6] =	sst s0;
	s0 =	simm.s32 @!p2 $0x0  }
0x16: {  	s3 =	sld [smem:$0x3FDB];
	s0 =	simm.s32 @p2 $0x1  }
0x17: {  	s4 =	simm.s32 $0x1BF5;
	[smem:$0x3FB8] =	sst s0  }
0x18: {  	s0 =	sld [smem:$0x3F9B];
	_ =	swait.ge [sflag:s4], $0x0  }
0x19: {  	s7 =	sld [smem:$0x3F9C]  }
0x1a: {  	s8 =	sadd.s32 $0xFFFFE003, lr  }
0x1b: {  	s9 =	sadd.s32 $0xFFFFFEF7, lr;
	s5 =	simm.s32 $0xFFFFFFFF;
	p2 =	slt.u32 s8, $0xFFFFF086  }
0x1c: {  	p1 =	slt.u32 s9, $0xF7A;
	s5 =	simm.s32 @!p2 $0x0  }
0x1d: {  	s5 =	simm.s32 @p1 $0x1;
	p0 =	seq.s32 s7, s2  }
0x1e: {  	s7 =	smul.u32 @!p0 $0xF7A, s2;
	p2 =	seq.s32 @!p0 s5, $0x0  }
0x1f: {  	s9 =	smul.u32 $0xF7A, s1;
	s8 =	simm.s32 @!p0 $0x1BF5;
	p2 =	por !p2, p0  }
0x20: {  	[sflag:s8] =	ssyncset.s32 @!p0 $0xFFFFF086;
	s6 =	sadd.s32 @!p0 s3, s7;
	s7 =	simm.s32 @!p0 $0x108  }
0x21: {  	s3 =	sadd.s32 s3, s9;
	s6 =	sadd.s32 @!p0 $0x88, s6;
	s7 =	simm.s32 @p2 $0x1082  }
0x22: {  	[simem:s7], [sflag:s8] =	dma.local @!p0 [hbm:s6], $0xF7A  }
0x23: {  	s9 =	sor.u32 $0xD0000000, s2;
	s6 =	simm.s32 $0x108;
	_ =	swait.ge @!p0 [sflag:s8], $0x0  }
0x24: {  	s3 =	sadd.s32 $0x88, s3;
	s6 =	simm.s32 @!p1 $0x1082;
	[sflag:s4] =	ssyncset.s32 $0xFFFFF086  }
0x25: {  	[simem:s6], [sflag:s4] =	dma.local [hbm:s3], $0xF7A  }
0x26: {  	[smem:$0x3F9C] =	sst s1;
	(tag) =	ssettag s2;
	_ =	strace s9  }
0x27: {  	s1 =	sld [smem:$0x3FAC]  }
0x28: {  	s2 =	sld [smem:$0x3FAD]  }
0x29: {  	s4 =	sld [smem:$0x3FAF]  }
0x2a: {  	p0 =	seq.s32 s5, $0x0;
	s5 =	sld [smem:$0x3FB0]  }
0x2b: {  	s6 =	sld [smem:$0x3FB1]  }
0x2c: {  	s7 =	sld [smem:$0x3FB2]  }
0x2d: {  	s3 =	simm.s32 $0x108;
	s8 =	sld [smem:$0x3FB3]  }
0x2e: {  	s3 =	simm.s32 @!p0 $0x1082;
	s9 =	sld [smem:$0x3FB4]  }
0x2f: {  	lr =	sadd.s32 s0, s3;
	s0 =	sld [smem:$0x3FAB]  }
0x30: {  	s3 =	sld [smem:$0x3FAE]  }
0x31: {  	[smem:$0x3FB7] =	sst s10  }
0x32: {  	s10 =	sld [smem:$0x3FB5];
	_ =	sdelay $0x3  }
0x33: {  	p0 =	seq.s32 s10, $0x1;
	s10 =	sld [smem:$0x3FB7];
	_ =	sdelay $0x3  }
0x34: {  	[smem:$0x3FB7] =	sst s10  }
0x35: {  	s10 =	sld [smem:$0x3FB6];
	_ =	sdelay $0x3  }
0x36: {  	p1 =	seq.s32 s10, $0x1;
	s10 =	sld [smem:$0x3FB7];
	_ =	sdelay $0x3  }
0x37: {  	[smem:$0x3FB7] =	sst s10  }
0x38: {  	s10 =	sld [smem:$0x3FB8]  }
0x39: {  	_ = 	snop;
	(pc) =	sbr.ind lr, $3  }
0x3a: {  	_ = 	snop  }
0x3b: {  	_ = 	snop  }
0x3c: {  	p2 =	seq.s32 s10, $0x1;
	s10 =	sld [smem:$0x3FB7]  }
0x3d: {  	_ =	shalt  }
0x3e: {  	_ =	shalt  }
0x3f: {  	_ =	shalt  }
0x40: {  	_ =	shalt  }
0x41: {  	_ =	shalt  }
0x42: {  	_ =	shalt  }
0x43: {  	_ =	shalt  }
0x44: {  	_ =	shalt  }
0x45: {  	_ =	shalt  }
0x46: {  	_ =	shalt  }
0x47: {  	_ =	shalt  }
0x48: {  	_ =	shalt  }
0x49: {  	_ =	shalt  }
0x4a: {  	_ =	shalt  }
0x4b: {  	_ =	shalt  }
0x4c: {  	_ =	shalt  }
0x4d: {  	_ =	shalt  }
0x4e: {  	_ =	shalt  }
0x4f: {  	_ =	shalt  }
0x50: {  	_ =	shalt  }
0x51: {  	_ =	shalt  }
0x52: {  	_ =	shalt  }
0x53: {  	_ =	shalt  }
0x54: {  	_ =	shalt  }
0x55: {  	_ =	shalt  }
0x56: {  	_ =	shalt  }
0x57: {  	_ =	shalt  }
0x58: {  	_ =	shalt  }
0x59: {  	_ =	shalt  }
0x5a: {  	_ =	shalt  }
0x5b: {  	_ =	shalt  }
0x5c: {  	_ =	shalt  }
0x5d: {  	_ =	shalt  }
0x5e: {  	_ =	shalt  }
0x5f: {  	_ =	shalt  }
0x60: {  	_ =	shalt  }
0x61: {  	_ =	shalt  }
0x62: {  	_ =	shalt  }
0x63: {  	_ =	shalt  }
0x64: {  	_ =	shalt  }
0x65: {  	_ =	shalt  }
0x66: {  	_ =	shalt  }
0x67: {  	_ =	shalt  }
0x68: {  	_ =	shalt  }
0x69: {  	_ =	shalt  }
0x6a: {  	_ =	shalt  }
0x6b: {  	_ =	shalt  }
0x6c: {  	_ =	shalt  }
0x6d: {  	_ =	shalt  }
0x6e: {  	_ =	shalt  }
0x6f: {  	_ =	shalt  }
0x70: {  	_ =	shalt  }
0x71: {  	_ =	shalt  }
0x72: {  	_ =	shalt  }
0x73: {  	_ =	shalt  }
0x74: {  	_ =	shalt  }
0x75: {  	_ =	shalt  }
0x76: {  	_ =	shalt  }
0x77: {  	_ =	shalt  }
0x78: {  	_ =	shalt  }
0x79: {  	_ =	shalt  }
0x7a: {  	_ =	shalt  }
0x7b: {  	_ =	shalt  }
0x7c: {  	_ =	shalt  }
0x7d: {  	_ =	shalt  }
0x7e: {  	_ =	shalt  }
0x7f: {  	_ =	shalt  }
0x80: {  	_ =	shalt  }
0x81: {  	_ =	shalt  }
0x82: {  	_ =	shalt  }
0x83: {  	_ =	shalt  }
0x84: {  	_ =	shalt  }
0x85: {  	_ =	shalt  }
0x86: {  	_ =	shalt  }
0x87: {  	_ =	shalt  }
.Lfunc_end0:
.L_simem_size_0:
called_computation.1_lowered:
.L_overlay_start_0:
0x88: {  	s2 =	sld [smem:$0x3FD9]  }
0x89: {  	s3 =	sld [smem:$0x3FFE];
	_ =	sdelay $0x1  }
0x8a: {  	s1 =	srdreg.scid  }
0x8b: {  	s0 =	sand.u32 $0x1, s1  }
0x8c: {  	s17 =	sshll.u32 s0, $0xA;
	s2 =	sadd.s32 s3, s2  }
0x8d: {  	s2 =	sadd.s32 s2, s17  }
0x8e: {  	[smem:$0x3FC3] =	sst s2  }
0x8f: {  	_ = 	snop  }
0x90: {  	s2 =	sld [smem:$0x3FC7];
	(tm) =	ssettm $0x1  }
0x91: {  	s18 =	sld [smem:$0x3FFB];
	_ =	sdelay $0x3  }
0x92: {  	_ =	strace s18  }
0x93: {  	s3 =	sld [smem:$0x3FFC];
	_ =	sdelay $0x3  }
0x94: {  	_ =	strace s3  }
0x95: {  	s3 =	sld [smem:$0x3FFD];
	_ =	sdelay $0x3  }
0x96: {  	_ =	strace s3  }
0x97: {  	_ =	strace $0x8FFFFFFF  }
0x98: {  	s19 =	sld [smem:$0x3FDB];
	_ =	sdelay $0x1  }
0x99: {  	s4 =	simm.s32 $_scs_section_size  }
0x9a: {  	s5 =	simm.s32 $_size__tile_overlayer_lowered;
	s6 =	simm.s32 $_tile_overlayer_lowered  }
0x9b: {  	s22 =	simm.s32 $0x1BFF;
	s21 =	sshll.u32 s6, $0x1;
	s3 =	sadd.s32 s4, s19  }
0x9c: {  	s7 =	simm.s32 $0x0;
	s20 =	sshll.u32 s5, $0x1;
	s5 =	sadd.s32 s21, s3  }
0x9d: {  	[timem:s7], [sflag:s22] =	dma.local [hbm:s5], s20  }
0x9e: {  	_ =	swait.ge [sflag:s22], s20  }
0x9f: {  	s4 =	ssub.s32 $0x0, s20;
	[sflag:s22] =	ssyncset.done $0x0  }
0xa0: {  	[sflag:s22] =	ssyncadd.s32 s4;
	_ =	sdelay $0x1  }
0xa1: {  	s23 =	simm.s32 $0x1B8B  }
0xa2: {  	_ =	swait.ge [sflag:s23], $0x1  }
0xa3: {  	[sflag:s23] =	ssyncset.done $0x0  }
0xa4: {  	s25 =	simm.s32 $0x1B8E;
	s24 =	sld [smem:$0x3FFE];
	[sflag:s23] =	ssyncadd.s32 $0xFFFFFFFF  }
0xa5: {  	s26 =	simm.s32 $execute0_lowered;
	[smem:$0x3FD2] =	sst s25  }
0xa6: {  	s5 =	sshll.u32 s26, $0x1;
	_ =	strace $0x80000049;
	[dreg:$0x1] =	wrdreg $0xFFFFFFFF  }
0xa7: {  	s28 =	simm.s32 $_size_execute0_lowered;
	s3 =	sadd.s32 s3, s5;
	[dreg:$0x0] =	wrdreg $0x0  }
0xa8: {  	s5 =	sshll.u32 s28, $0x1;
	[dreg:$0x2] =	wrdreg s3  }
0xa9: {  	[dreg:$0x3] =	wrdreg s5  }
0xaa: {  	[dreg:$0x4] =	wrdreg $0xC0  }
0xab: {  	_ =	task [dreg:s7], $0x5FFFF  }
0xac: {  	[dreg:$0x1] =	wrdreg $0xFFFFFFFF  }
0xad: {  	[dreg:$0x0] =	wrdreg $0x60  }
0xae: {  	[dreg:$0x2] =	wrdreg s24  }
0xaf: {  	[dreg:$0x3] =	wrdreg s2  }
0xb0: {  	[dreg:$0x4] =	wrdreg $0x125800  }
0xb1: {  	[dreg:$0x5] =	wrdreg $0x9  }
0xb2: {  	_ =	task.clear_ibuf [dreg:s7], $0x6FFFF;
	_ =	strace $0x90000049  }
0xb3: {  	s29 =	simm.s32 $0x9;
	_ =	strace $0x8000004B  }
0xb4: {  	_ =	swait.ge [sflag:s29], $0x1  }
0xb5: {  	[sflag:s29] =	ssyncadd.s32 $0xFFFFFFFF  }
0xb6: {  	_ =	strace $0x9000004B  }
0xb7: {  	_ =	sfence  }
0xb8: {  	s30 =	sld [smem:$0x0];
	_ =	sdelay $0x2  }
0xb9: {  	s31 =	sshll.u32 s1, $0xD;
	s1 =	sshrl.u32 s1, $0x2  }
0xba: {  	s3 =	sand.u32 $0x4000, s31;
	s1 =	sadd.s32 s1, s30  }
0xbb: {  	s0 =	sor.u32 s3, s0;
	s1 =	sshll.u32 s1, $0x11  }
0xbc: {  	s0 =	sor.u32 s1, s0  }
0xbd: {  	s0 =	sadd.s32 $0x8F2B, s0  }
0xbe: {  	[sflag:s0] =	ssyncadd.remote.s32 $0x1  }
0xbf: {  	_ =	sfence.sel $0xFFFF  }
0xc0: {  	[dreg:$0x0] =	wrdreg $0xFFFFFFFF;
	(pc) =	sbr.abs _section_cstart, $3  }
0xc1: {  	[dreg:$0x1] =	wrdreg $0xFFFFFFFF  }
0xc2: {  	_ =	task.clear_ibuf [dreg:s7], $0x2FFFF;
	_ =	strace $0x9FFFFFFF  }
0xc3: {  	(tm) =	ssettm $0x7FFFFFFF  }
tec
execute0_lowered:
.L_overlay_start_1:
0x0: {  	(tag) =	ssettag $0x1  }
0x1: {  	s1 =	rddreg [dreg:$0x0]  }
0x2: {  	s0 =	srdreg.scid;
	s6 =	rddreg [dreg:$0x1]  }
0x3: {  	s12 =	stileid.u32;
	s8 =	rddreg [dreg:$0x2];
	s13 =	simm.s32 $0x2780  }
0x4: {  	s14 =	simm.s32 $0x4F00;
	s15 =	simm.s32 $0x3;
	s16 =	simm.s32 $0x1  }
0x5: {  	s17 =	simm.s32 $0x2;
	s18 =	simm.s32 $0x4;
	s19 =	simm.s32 $0xC680  }
0x6: {  	s20 =	simm.s32 $0x80;
	s21 =	simm.s32 $0x400;
	s22 =	simm.s32 $0x5  }
0x7: {  	s23 =	simm.s32 $0x11680;
	s24 =	simm.s32 $0x11B80;
	s25 =	simm.s32 $0x12080  }
0x8: {  	s26 =	simm.s32 $0x0;
	s0 =	sand.u32 $0x1, s0;
	s2 =	sshll.u32 s12, $0x1  }
0x9: {  	s10 =	sshrl.u32 s12, $0x3;
	s30 =	sshll.u32 s12, $0x7;
	s31 =	smul.u32 $0xA000, s12  }
0xa: {  	s12 =	smul.u32 $0xA0, s12;
	s2 =	sor.u32 s0, s2;
	s4 =	ssub.s32 $0x2, s0  }
0xb: {  	s29 =	smul.u32 $0xA0000, s10;
	p0 =	seq.s32 s0, $0x1;
	s0 =	simm.s32 $0x17800  }
0xc: {  	s3 =	smul.u32 $0x2710, s2;
	s2 =	simm.s32 $0x0;
	s9 =	sshrl.u32 s4, $0x1  }
0xd: {  	s10 =	sshrl.u32 s31, $0x2;
	s0 =	simm.s32 @!p0 $0x16E00;
	[smem:$0x7FF] =	sst s2  }
0xe: {  	s11 =	ssub.s32 s4, s9;
	s9 =	sshrl.u32 s29, $0x2;
	s0 =	sadd.s32 s0, s1  }
0xf: {  	s7 =	sshrl.u32 s3, $0x3;
	_ =	strace $0x8000004A;
	s3 =	sadd.s32 $0x16400, s1  }
0x10: {  	s9 =	sadd.s32 s9, s8;
	s8 =	sadd.s32 s10, s8;
	s10 =	smax.u32 s11, $0x1  }
0x11: {  	s11 =	sadd.s32 s0, s12;
	s12 =	simm.s32 $0x7680;
	s5 =	sadd.s32 s7, s1  }
0x12: {  	s6 =	sadd.s32 s6, s7;
	s7 =	sand.u32 $0x380, s30;
	s4 =	sadd.s32 $0x2A00, s5  }
0x13: {  	v0 =	vimm.f32 $0.0e+00;
	s5 =	sadd.s32 $0xC640, s5;
	s7 =	sadd.s32 s7, s9;
	s9 =	sadd.s32 $0x28380, s8  }
.LBB2_1:
0x14: {  	[tilespmem:s12], [sflag:$0x3] =	stream.linear.gather [hbm4b:s3+s2], $0x5000, $0x38;
	[tilespmem:$0x17580] =	vst v63  }
0x15: {  	_ = 	snop  }
0x16: {  	[tilespmem:s2], [sflag:$0x1] =	stream.linear.gather [hbm4b:s4+s2], $0x2710, $0x38;
	[tilespmem:$0x17580] =	vst v63  }
0x17: {  	_ = 	snop  }
0x18: {  	[tilespmem:s13], [sflag:$0x2] =	stream.linear.gather [hbm4b:s5+s2], $0x2710, $0x38;
	[tilespmem:$0x17580] =	vst v63  }
0x19: {  	s0 =	simm.s32 $0xC6C0  }
0x1a: {  	[tilespmem:s14], [sflag:$0x4] =	stream.linear.gather [hbm4b:s6+s2], $0x2710, $0x38;
	[tilespmem:$0x17580] =	vst v63  }
0x1b: {  	[tilespmem:s0+$0xFFFFFFC0] =	vst v0  }
0x1c: {  	[tilespmem:s0+$0x30] =	vst v0  }
0x1d: {  	[tilespmem:s0+$0x20] =	vst v0  }
0x1e: {  	[tilespmem:s0+$0x10] =	vst v0  }
0x1f: {  	[tilespmem:s0+$0x0] =	vst v0  }
0x20: {  	[tilespmem:s0+$0xFFFFFFF0] =	vst v0  }
0x21: {  	s1 =	simm.s32 $0x0;
	[tilespmem:s0+$0xFFFFFFE0] =	vst v0  }
.LBB2_2:
0x22: {  	s1 =	sadd.s32 $0x8, s1;
	[tilespmem:s0+$0xFFFFFFD0] =	vst v0;
	s0 =	sadd.s32 $0x80, s0  }
0x23: {  	[tilespmem:s0+$0xFFFFFFC0] =	vst v0;
	p0 =	slt.u32 s1, $0x4F8  }
0x24: {  	[tilespmem:s0+$0x30] =	vst v0  }
.Ltmp0:
0x25: {  	[tilespmem:s0+$0x20] =	vst v0;
	(pc) =	sbr.rel @p0 .LBB2_2-.Ltmp0, $4  }
0x26: {  	[tilespmem:s0+$0x10] =	vst v0  }
0x27: {  	[tilespmem:s0+$0x0] =	vst v0  }
0x28: {  	[tilespmem:s0+$0xFFFFFFF0] =	vst v0  }
0x29: {  	[tilespmem:s0+$0xFFFFFFE0] =	vst v0  }
0x2a: {  	[tilespmem:s0+$0xFFFFFFD0] =	vst v0  }
0x2b: {  	_ =	swait.ge [sflag:s15], $0x5000  }
0x2c: {  	[sflag:s15] =	ssyncset.done $0x0  }
0x2d: {  	[sflag:s15] =	ssyncadd.s32 $0xFFFFB000  }
0x2e: {  	_ =	swait.ge [sflag:s16], $0x2710  }
0x2f: {  	[sflag:s16] =	ssyncset.done $0x0  }
0x30: {  	[sflag:s16] =	ssyncadd.s32 $0xFFFFD8F0  }
0x31: {  	_ =	swait.ge [sflag:s17], $0x2710  }
0x32: {  	[sflag:s17] =	ssyncset.done $0x0  }
0x33: {  	[sflag:s17] =	ssyncadd.s32 $0xFFFFD8F0  }
0x34: {  	s28 =	simm.s32 $0xFFFFFFE7;
	_ =	swait.ge [sflag:s18], $0x2710  }
0x35: {  	s29 =	simm.s32 $0x0;
	s30 =	simm.s32 $0x2840;
	[sflag:s18] =	ssyncset.done $0x0  }
0x36: {  	s31 =	simm.s32 $0x4FC0;
	s1 =	simm.s32 $0xC0;
	[sflag:s18] =	ssyncadd.s32 $0xFFFFD8F0  }
.LBB2_4:
0x37: {  	v1 =	vld [tilespmem:s1+$0xFFFFFF40]  }
0x38: {  	v3 =	vld [tilespmem:s1+$0xFFFFFF50]  }
0x39: {  	v4 =	vld [tilespmem:s30+$0xFFFFFF40]  }
0x3a: {  	v5 =	vld [tilespmem:s31+$0xFFFFFF40]  }
0x3b: {  	v6 =	vld [tilespmem:s30+$0xFFFFFF50]  }
0x3c: {  	v8 =	vld [tilespmem:s31+$0xFFFFFF50]  }
0x3d: {  	v10 =	vld [tilespmem:s1+$0xFFFFFF60]  }
0x3e: {  	v18 =	vld [tilespmem:s1+$0xFFFFFF70]  }
0x3f: {  	v19 =	vld [tilespmem:s31+$0xFFFFFF60]  }
0x40: {  	v21 =	vld [tilespmem:s30+$0xFFFFFF70]  }
0x41: {  	v11 =	vld [tilespmem:s31+$0xFFFFFF70]  }
0x42: {  	v12 =	vld [tilespmem:s1+$0xFFFFFF80]  }
0x43: {  	v24 =	vld [tilespmem:s1+$0xFFFFFF90];
	v2 =	vadd.s32 $0x2800, v1  }
0x44: {  	v25 =	vld [tilespmem:s31+$0xFFFFFF80]  }
0x45: {  	v28 =	vld [tilespmem:s30+$0xFFFFFF90]  }
0x46: {  	v30 =	vld [tilespmem:s31+$0xFFFFFF90]  }
0x47: {  	v1 =	vld.idx.msk [tilespmem:v1+s12+$0x0], $0xffff  }
0x48: {  	v2 =	vld.idx.msk [tilespmem:v2+s12+$0x0], $0xffff  }
0x49: {  	v32 =	vld [tilespmem:s1+$0xFFFFFFA0]  }
0x4a: {  	v7 =	vadd.s32 $0x2800, v4;
	v9 =	vld.idx.msk [tilespmem:v3+s12+$0x0], $0xffff  }
0x4b: {  	v33 =	vld [tilespmem:s1+$0xFFFFFFB0];
	v3 =	vadd.s32 $0x2800, v3  }
0x4c: {  	v34 =	vld [tilespmem:s31+$0xFFFFFFA0];
	v1 =	vmul.f32 v1, v5  }
0x4d: {  	v37 =	vld [tilespmem:s30+$0xFFFFFFB0];
	v2 =	vmul.f32 v2, v5  }
0x4e: {  	[tilespmem:v4+s19+$0x0] =	vst.idx.add.f32.msk $0xffff, v1  }
0x4f: {  	[tilespmem:v7+s19+$0x0] =	vst.idx.add.f32.msk $0xffff, v2;
	v2 =	vmul.f32 v9, v8  }
0x50: {  	v1 =	vld.idx.msk [tilespmem:v3+s12+$0x0], $0xffff;
	v3 =	vadd.s32 $0x2800, v10  }
0x51: {  	[tilespmem:v6+s19+$0x0] =	vst.idx.add.f32.msk $0xffff, v2  }
0x52: {  	v2 =	vld [tilespmem:s30+$0xFFFFFF60]  }
0x53: {  	v39 =	vld [tilespmem:s31+$0xFFFFFFB0]  }
0x54: {  	v20 =	vld.idx.msk [tilespmem:v10+s12+$0x0], $0xffff  }
0x55: {  	v6 =	vadd.s32 $0x2800, v6;
	v3 =	vld.idx.msk [tilespmem:v3+s12+$0x0], $0xffff  }
0x56: {  	v42 =	vld [tilespmem:s1+$0xFFFFFFD0]  }
0x57: {  	v23 =	vld.idx.msk [tilespmem:v18+s12+$0x0], $0xffff;
	v22 =	vadd.s32 $0x2800, v2  }
0x58: {  	v46 =	vld [tilespmem:s30+$0xFFFFFFD0];
	v4 =	vadd.s32 $0x2800, v18;
	v1 =	vmul.f32 v1, v8  }
0x59: {  	v48 =	vld [tilespmem:s31+$0xFFFFFFD0];
	v7 =	vmul.f32 v20, v19  }
0x5a: {  	[tilespmem:v6+s19+$0x0] =	vst.idx.add.f32.msk $0xffff, v1;
	v1 =	vmul.f32 v3, v19  }
0x5b: {  	[tilespmem:v2+s19+$0x0] =	vst.idx.add.f32.msk $0xffff, v7  }
0x5c: {  	v2 =	vmul.f32 v23, v11;
	[tilespmem:v22+s19+$0x0] =	vst.idx.add.f32.msk $0xffff, v1  }
0x5d: {  	v3 =	vadd.s32 $0x2800, v12;
	v1 =	vld.idx.msk [tilespmem:v4+s12+$0x0], $0xffff  }
0x5e: {  	[tilespmem:v21+s19+$0x0] =	vst.idx.add.f32.msk $0xffff, v2  }
0x5f: {  	v2 =	vld [tilespmem:s30+$0xFFFFFF80]  }
0x60: {  	v50 =	vld [tilespmem:s1+$0xFFFFFFE0]  }
0x61: {  	v26 =	vld.idx.msk [tilespmem:v12+s12+$0x0], $0xffff  }
0x62: {  	v27 =	vadd.s32 $0x2800, v21;
	v3 =	vld.idx.msk [tilespmem:v3+s12+$0x0], $0xffff  }
0x63: {  	v51 =	vld [tilespmem:s1+$0xFFFFFFF0]  }
0x64: {  	v31 =	vld.idx.msk [tilespmem:v24+s12+$0x0], $0xffff;
	v29 =	vadd.s32 $0x2800, v2  }
0x65: {  	v52 =	vld [tilespmem:s31+$0xFFFFFFE0];
	v4 =	vadd.s32 $0x2800, v24;
	v1 =	vmul.f32 v1, v11  }
0x66: {  	v55 =	vld [tilespmem:s30+$0xFFFFFFF0];
	v6 =	vmul.f32 v26, v25  }
0x67: {  	[tilespmem:v27+s19+$0x0] =	vst.idx.add.f32.msk $0xffff, v1;
	v1 =	vmul.f32 v3, v25  }
0x68: {  	[tilespmem:v2+s19+$0x0] =	vst.idx.add.f32.msk $0xffff, v6  }
0x69: {  	v2 =	vmul.f32 v31, v30;
	[tilespmem:v29+s19+$0x0] =	vst.idx.add.f32.msk $0xffff, v1  }
0x6a: {  	v3 =	vadd.s32 $0x2800, v32;
	v1 =	vld.idx.msk [tilespmem:v4+s12+$0x0], $0xffff  }
0x6b: {  	[tilespmem:v28+s19+$0x0] =	vst.idx.add.f32.msk $0xffff, v2  }
0x6c: {  	v2 =	vld [tilespmem:s30+$0xFFFFFFA0]  }
0x6d: {  	v57 =	vld [tilespmem:s31+$0xFFFFFFF0]  }
0x6e: {  	v35 =	vld.idx.msk [tilespmem:v32+s12+$0x0], $0xffff  }
0x6f: {  	v36 =	vadd.s32 $0x2800, v28;
	v3 =	vld.idx.msk [tilespmem:v3+s12+$0x0], $0xffff  }
0x70: {  	v59 =	vld [tilespmem:s1+$0x0]  }
0x71: {  	s0 =	sand.u32 $0x3FF0, s29;
	v40 =	vld.idx.msk [tilespmem:v33+s12+$0x0], $0xffff;
	v38 =	vadd.s32 $0x2800, v2  }
0x72: {  	v41 =	vld [tilespmem:s0+$0x80];
	v4 =	vadd.s32 $0x2800, v33;
	v1 =	vmul.f32 v1, v30  }
0x73: {  	v60 =	vld [tilespmem:s1+$0x10];
	v6 =	vmul.f32 v35, v34  }
0x74: {  	[tilespmem:v36+s19+$0x0] =	vst.idx.add.f32.msk $0xffff, v1;
	v1 =	vmul.f32 v3, v34  }
0x75: {  	[tilespmem:v2+s19+$0x0] =	vst.idx.add.f32.msk $0xffff, v6  }
0x76: {  	v2 =	vmul.f32 v40, v39;
	[tilespmem:v38+s19+$0x0] =	vst.idx.add.f32.msk $0xffff, v1  }
0x77: {  	v3 =	vadd.s32 $0x2800, v41;
	v1 =	vld.idx.msk [tilespmem:v4+s12+$0x0], $0xffff  }
0x78: {  	[tilespmem:v37+s19+$0x0] =	vst.idx.add.f32.msk $0xffff, v2  }
0x79: {  	v2 =	vld [tilespmem:s0+$0x2800]  }
0x7a: {  	v43 =	vld [tilespmem:s0+$0x4F80]  }
0x7b: {  	v44 =	vld.idx.msk [tilespmem:v41+s12+$0x0], $0xffff  }
0x7c: {  	v45 =	vadd.s32 $0x2800, v37;
	v3 =	vld.idx.msk [tilespmem:v3+s12+$0x0], $0xffff  }
0x7d: {  	v61 =	vld [tilespmem:s31+$0x0]  }
0x7e: {  	v49 =	vld.idx.msk [tilespmem:v42+s12+$0x0], $0xffff;
	v47 =	vadd.s32 $0x2800, v2  }
0x7f: {  	v16 =	vld [tilespmem:s30+$0x10];
	v4 =	vadd.s32 $0x2800, v42;
	v1 =	vmul.f32 v1, v39  }
0x80: {  	v14 =	vld [tilespmem:s0+$0x2900];
	v6 =	vmul.f32 v44, v43  }
0x81: {  	[tilespmem:v45+s19+$0x0] =	vst.idx.add.f32.msk $0xffff, v1;
	v1 =	vmul.f32 v3, v43  }
0x82: {  	[tilespmem:v2+s19+$0x0] =	vst.idx.add.f32.msk $0xffff, v6  }
0x83: {  	v2 =	vmul.f32 v49, v48;
	[tilespmem:v47+s19+$0x0] =	vst.idx.add.f32.msk $0xffff, v1  }
0x84: {  	v3 =	vadd.s32 $0x2800, v50;
	v1 =	vld.idx.msk [tilespmem:v4+s12+$0x0], $0xffff  }
0x85: {  	[tilespmem:v46+s19+$0x0] =	vst.idx.add.f32.msk $0xffff, v2  }
0x86: {  	v2 =	vld [tilespmem:s30+$0xFFFFFFE0]  }
0x87: {  	v53 =	vld.idx.msk [tilespmem:v50+s12+$0x0], $0xffff  }
0x88: {  	v58 =	vld.idx.msk [tilespmem:v51+s12+$0x0], $0xffff  }
0x89: {  	v54 =	vadd.s32 $0x2800, v46;
	v3 =	vld.idx.msk [tilespmem:v3+s12+$0x0], $0xffff  }
0x8a: {  	v62 =	vld.idx.msk [tilespmem:v59+s12+$0x0], $0xffff  }
0x8b: {  	v18 =	vld [tilespmem:s31+$0x10];
	v56 =	vadd.s32 $0x2800, v2  }
0x8c: {  	v20 =	vld [tilespmem:s1+$0x20];
	v4 =	vadd.s32 $0x2800, v51;
	v1 =	vmul.f32 v1, v48  }
0x8d: {  	v19 =	vld.idx.msk [tilespmem:v60+s12+$0x0], $0xffff;
	v6 =	vmul.f32 v53, v52  }
0x8e: {  	[tilespmem:v54+s19+$0x0] =	vst.idx.add.f32.msk $0xffff, v1;
	v1 =	vmul.f32 v3, v52  }
0x8f: {  	[tilespmem:v2+s19+$0x0] =	vst.idx.add.f32.msk $0xffff, v6  }
0x90: {  	v2 =	vmul.f32 v58, v57;
	[tilespmem:v56+s19+$0x0] =	vst.idx.add.f32.msk $0xffff, v1  }
0x91: {  	v3 =	vadd.s32 $0x2800, v59;
	v1 =	vld.idx.msk [tilespmem:v4+s12+$0x0], $0xffff  }
0x92: {  	[tilespmem:v55+s19+$0x0] =	vst.idx.add.f32.msk $0xffff, v2  }
0x93: {  	v2 =	vld [tilespmem:s30+$0x0]  }
0x94: {  	v23 =	vld.idx.msk [tilespmem:v20+s12+$0x0], $0xffff  }
0x95: {  	v21 =	vld [tilespmem:s1+$0x30]  }
0x96: {  	v63 =	vadd.s32 $0x2800, v55;
	v3 =	vld.idx.msk [tilespmem:v3+s12+$0x0], $0xffff  }
0x97: {  	v22 =	vld [tilespmem:s31+$0x20]  }
0x98: {  	v25 =	vld [tilespmem:s30+$0x30];
	v17 =	vadd.s32 $0x2800, v2  }
0x99: {  	v27 =	vld [tilespmem:s31+$0x30];
	v4 =	vadd.s32 $0x2800, v60;
	v1 =	vmul.f32 v1, v57  }
0x9a: {  	v29 =	vld [tilespmem:s0+$0x100];
	v6 =	vmul.f32 v62, v61  }
0x9b: {  	[tilespmem:v63+s19+$0x0] =	vst.idx.add.f32.msk $0xffff, v1;
	v1 =	vmul.f32 v3, v61  }
0x9c: {  	[tilespmem:v2+s19+$0x0] =	vst.idx.add.f32.msk $0xffff, v6  }
0x9d: {  	v2 =	vmul.f32 v19, v18;
	[tilespmem:v17+s19+$0x0] =	vst.idx.add.f32.msk $0xffff, v1  }
0x9e: {  	v3 =	vadd.s32 $0x2800, v20;
	v1 =	vld.idx.msk [tilespmem:v4+s12+$0x0], $0xffff  }
0x9f: {  	[tilespmem:v16+s19+$0x0] =	vst.idx.add.f32.msk $0xffff, v2  }
0xa0: {  	v2 =	vld [tilespmem:s30+$0x20]  }
0xa1: {  	v31 =	vld [tilespmem:s0+$0x5000]  }
0xa2: {  	v28 =	vld.idx.msk [tilespmem:v21+s12+$0x0], $0xffff  }
0xa3: {  	v24 =	vadd.s32 $0x2800, v16;
	v3 =	vld.idx.msk [tilespmem:v3+s12+$0x0], $0xffff  }
0xa4: {  	v30 =	vld [tilespmem:s1+$0x50]  }
0xa5: {  	v34 =	vld [tilespmem:s30+$0x50];
	v26 =	vadd.s32 $0x2800, v2  }
0xa6: {  	v36 =	vld [tilespmem:s31+$0x50];
	v4 =	vadd.s32 $0x2800, v21;
	v1 =	vmul.f32 v1, v18  }
0xa7: {  	v32 =	vld.idx.msk [tilespmem:v29+s12+$0x0], $0xffff;
	v6 =	vmul.f32 v23, v22  }
0xa8: {  	[tilespmem:v24+s19+$0x0] =	vst.idx.add.f32.msk $0xffff, v1;
	v1 =	vmul.f32 v3, v22  }
0xa9: {  	[tilespmem:v2+s19+$0x0] =	vst.idx.add.f32.msk $0xffff, v6  }
0xaa: {  	v2 =	vmul.f32 v28, v27;
	[tilespmem:v26+s19+$0x0] =	vst.idx.add.f32.msk $0xffff, v1  }
0xab: {  	v3 =	vadd.s32 $0x2800, v29;
	v1 =	vld.idx.msk [tilespmem:v4+s12+$0x0], $0xffff  }
0xac: {  	[tilespmem:v25+s19+$0x0] =	vst.idx.add.f32.msk $0xffff, v2  }
0xad: {  	v2 =	vld [tilespmem:s0+$0x2880]  }
0xae: {  	v40 =	vld [tilespmem:s31+$0x60]  }
0xaf: {  	v38 =	vld [tilespmem:s1+$0x60]  }
0xb0: {  	v33 =	vadd.s32 $0x2800, v25;
	v3 =	vld.idx.msk [tilespmem:v3+s12+$0x0], $0xffff  }
0xb1: {  	v37 =	vld.idx.msk [tilespmem:v30+s12+$0x0], $0xffff  }
0xb2: {  	v39 =	vld [tilespmem:s1+$0x70];
	v35 =	vadd.s32 $0x2800, v2  }
0xb3: {  	v43 =	vld [tilespmem:s30+$0x70];
	v4 =	vadd.s32 $0x2800, v30;
	v1 =	vmul.f32 v1, v27  }
0xb4: {  	v45 =	vld [tilespmem:s31+$0x70];
	v6 =	vmul.f32 v32, v31  }
0xb5: {  	[tilespmem:v33+s19+$0x0] =	vst.idx.add.f32.msk $0xffff, v1;
	v1 =	vmul.f32 v3, v31  }
0xb6: {  	[tilespmem:v2+s19+$0x0] =	vst.idx.add.f32.msk $0xffff, v6  }
0xb7: {  	v2 =	vmul.f32 v37, v36;
	[tilespmem:v35+s19+$0x0] =	vst.idx.add.f32.msk $0xffff, v1  }
0xb8: {  	v3 =	vadd.s32 $0x2800, v38;
	v1 =	vld.idx.msk [tilespmem:v4+s12+$0x0], $0xffff  }
0xb9: {  	[tilespmem:v34+s19+$0x0] =	vst.idx.add.f32.msk $0xffff, v2  }
0xba: {  	v2 =	vld [tilespmem:s30+$0x60]  }
0xbb: {  	v41 =	vld.idx.msk [tilespmem:v38+s12+$0x0], $0xffff  }
0xbc: {  	v49 =	vld [tilespmem:s31+$0x80]  }
0xbd: {  	v42 =	vadd.s32 $0x2800, v34;
	v3 =	vld.idx.msk [tilespmem:v3+s12+$0x0], $0xffff  }
0xbe: {  	v47 =	vld [tilespmem:s1+$0x80]  }
0xbf: {  	v46 =	vld.idx.msk [tilespmem:v39+s12+$0x0], $0xffff;
	v44 =	vadd.s32 $0x2800, v2  }
0xc0: {  	v48 =	vld [tilespmem:s1+$0x90];
	v4 =	vadd.s32 $0x2800, v39;
	v1 =	vmul.f32 v1, v36  }
0xc1: {  	v52 =	vld [tilespmem:s30+$0x90];
	v6 =	vmul.f32 v41, v40  }
0xc2: {  	[tilespmem:v42+s19+$0x0] =	vst.idx.add.f32.msk $0xffff, v1;
	v1 =	vmul.f32 v3, v40  }
0xc3: {  	[tilespmem:v2+s19+$0x0] =	vst.idx.add.f32.msk $0xffff, v6  }
0xc4: {  	v2 =	vmul.f32 v46, v45;
	[tilespmem:v44+s19+$0x0] =	vst.idx.add.f32.msk $0xffff, v1  }
0xc5: {  	v3 =	vadd.s32 $0x2800, v47;
	v1 =	vld.idx.msk [tilespmem:v4+s12+$0x0], $0xffff  }
0xc6: {  	[tilespmem:v43+s19+$0x0] =	vst.idx.add.f32.msk $0xffff, v2  }
0xc7: {  	v2 =	vld [tilespmem:s30+$0x80]  }
0xc8: {  	v54 =	vld [tilespmem:s31+$0x90]  }
0xc9: {  	v50 =	vadd.s32 $0x2800, v43;
	v51 =	vld.idx.msk [tilespmem:v47+s12+$0x0], $0xffff  }
0xca: {  	v3 =	vld.idx.msk [tilespmem:v3+s12+$0x0], $0xffff  }
0xcb: {  	v59 =	vld [tilespmem:s0+$0x180]  }
0xcc: {  	v58 =	vld [tilespmem:s31+$0xA0];
	v1 =	vmul.f32 v1, v45;
	v53 =	vadd.s32 $0x2800, v2  }
0xcd: {  	v55 =	vld.idx.msk [tilespmem:v48+s12+$0x0], $0xffff  }
0xce: {  	[tilespmem:v50+s19+$0x0] =	vst.idx.add.f32.msk $0xffff, v1;
	v1 =	vmul.f32 v51, v49  }
0xcf: {  	v56 =	vld [tilespmem:s1+$0xA0];
	v4 =	vadd.s32 $0x2800, v48;
	v3 =	vmul.f32 v3, v49  }
0xd0: {  	[tilespmem:v2+s19+$0x0] =	vst.idx.add.f32.msk $0xffff, v1  }
0xd1: {  	[tilespmem:v53+s19+$0x0] =	vst.idx.add.f32.msk $0xffff, v3  }
0xd2: {  	v3 =	vld [tilespmem:s1+$0xB0]  }
0xd3: {  	v62 =	vld [tilespmem:s31+$0xB0];
	v2 =	vmul.f32 v55, v54  }
0xd4: {  	v1 =	vld.idx.msk [tilespmem:v4+s12+$0x0], $0xffff  }
0xd5: {  	[tilespmem:v52+s19+$0x0] =	vst.idx.add.f32.msk $0xffff, v2;
	v2 =	vadd.s32 $0x2800, v56  }
0xd6: {  	v57 =	vld [tilespmem:s30+$0xA0]  }
0xd7: {  	v7 =	vld.idx.msk [tilespmem:v59+s12+$0x0], $0xffff;
	v60 =	vadd.s32 $0x2800, v3  }
0xd8: {  	v61 =	vld [tilespmem:s30+$0xB0]  }
0xd9: {  	v13 =	vadd.s32 $0x2800, v59;
	v5 =	vld.idx.msk [tilespmem:v56+s12+$0x0], $0xffff  }
0xda: {  	v8 =	vadd.s32 $0x2800, v52;
	v2 =	vld.idx.msk [tilespmem:v2+s12+$0x0], $0xffff  }
0xdb: {  	v3 =	vld.idx.msk [tilespmem:v3+s12+$0x0], $0xffff  }
0xdc: {  	v15 =	vadd.s32 $0x2800, v57;
	v9 =	vld.idx.msk [tilespmem:v60+s12+$0x0], $0xffff  }
0xdd: {  	v16 =	vld [tilespmem:s0+$0x5080];
	v1 =	vmul.f32 v1, v54  }
0xde: {  	v13 =	vld.idx.msk [tilespmem:v13+s12+$0x0], $0xffff;
	v63 =	vadd.s32 $0x2800, v61;
	v5 =	vmul.f32 v5, v58  }
0xdf: {  	s28 =	sadd.s32 $0x19, s28;
	[tilespmem:v8+s19+$0x0] =	vst.idx.add.f32.msk $0xffff, v1;
	v1 =	vmul.f32 v2, v58  }
0xe0: {  	p0 =	slt.u32 s28, $0x258;
	[tilespmem:v57+s19+$0x0] =	vst.idx.add.f32.msk $0xffff, v5;
	v2 =	vmul.f32 v3, v62;
	v3 =	vadd.s32 $0x2800, v14  }
.Ltmp1:
0xe1: {  	[tilespmem:v15+s19+$0x0] =	vst.idx.add.f32.msk $0xffff, v1;
	v1 =	vmul.f32 v9, v62;
	(pc) =	sbr.rel @p0 .LBB2_4-.Ltmp1, $4  }
0xe2: {  	[tilespmem:v61+s19+$0x0] =	vst.idx.add.f32.msk $0xffff, v2;
	v2 =	vmul.f32 v7, v16  }
0xe3: {  	[tilespmem:v63+s19+$0x0] =	vst.idx.add.f32.msk $0xffff, v1;
	v1 =	vmul.f32 v13, v16  }
0xe4: {  	s29 =	sadd.s32 $0x190, s29;
	[tilespmem:v14+s19+$0x0] =	vst.idx.add.f32.msk $0xffff, v2  }
0xe5: {  	s31 =	sadd.s32 $0x190, s31;
	s30 =	sadd.s32 $0x190, s30;
	s1 =	sadd.s32 $0x190, s1;
	[tilespmem:v3+s19+$0x0] =	vst.idx.add.f32.msk $0xffff, v1  }
0xe6: {  	[spmem:s7] =	stream.strided.scatter [tilespmem:s19], [sflag:$0x5], $0x5000, s21, s20, $0x38;
	[tilespmem:$0x17580] =	vst v63  }
0xe7: {  	_ =	swait.ge [sflag:s22], $0x5000  }
0xe8: {  	[sflag:s22] =	ssyncset.done $0x0  }
0xe9: {  	[sflag:s22] =	ssyncadd.s32 $0xFFFFB000  }
0xea: {  	[bflag:$0x0] =	sbarrier.arrive $0xFFFF  }
0xeb: {  	[tilespmem:s23], [sflag:$0x5] =	stream.strided.gather [spmem:s8], $0x500, s21, s20, $0x38;
	[tilespmem:$0x17580] =	vst v63  }
0xec: {  	_ =	swait.ge [sflag:s22], $0x500  }
0xed: {  	[sflag:s22] =	ssyncset.done $0x0  }
0xee: {  	s0 =	simm.s32 $0x0;
	[sflag:s22] =	ssyncadd.s32 $0xFFFFFB00  }
.LBB2_6:
0xef: {  	s1 =	sshrl.u32 s0, $0x2  }
0xf0: {  	s1 =	smul.u32 $0xA0000, s1;
	_ =	sdelay $0x1  }
0xf1: {  	s28 =	sshll.u32 s0, $0x1;
	s29 =	sshll.u32 s0, $0x8;
	s1 =	sshra.s32 s1, $0x2  }
0xf2: {  	s29 =	sand.u32 $0x300, s29;
	s28 =	sadd.s32 $0x2, s28;
	s1 =	sadd.s32 s1, s8  }
0xf3: {  	s1 =	sadd.s32 s29, s1;
	s29 =	sshrl.u32 s28, $0x3  }
0xf4: {  	s1 =	sadd.s32 $0x80, s1;
	s29 =	smul.u32 $0xA0000, s29  }
0xf5: {  	[tilespmem:s24], [sflag:$0x1] =	stream.strided.gather [spmem:s1], $0x500, s21, s20, $0x38;
	[tilespmem:$0x17580] =	vst v63  }
0xf6: {  	s31 =	sshll.u32 s28, $0x7;
	s28 =	sshra.s32 s29, $0x2  }
0xf7: {  	s1 =	sand.u32 $0x300, s31;
	s28 =	sadd.s32 s28, s8  }
0xf8: {  	s1 =	sadd.s32 s1, s28  }
0xf9: {  	[tilespmem:s25], [sflag:$0x2] =	stream.strided.gather [spmem:s1], $0x500, s21, s20, $0x38;
	[tilespmem:$0x17580] =	vst v63  }
0xfa: {  	_ =	swait.ge [sflag:s16], $0x500  }
0xfb: {  	[sflag:s16] =	ssyncset.done $0x0  }
0xfc: {  	s28 =	simm.s32 $0x11BA0;
	[sflag:s16] =	ssyncadd.s32 $0xFFFFFB00  }
0xfd: {  	v2 =	vld [tilespmem:s28+$0x10]  }
0xfe: {  	v3 =	vld [tilespmem:s28+$0xFFFFFFF0]  }
0xff: {  	v4 =	vld [tilespmem:s28+$0x0]  }
0x100: {  	v1 =	vld [tilespmem:s28+$0xFFFFFFE0]  }
0x101: {  	s1 =	simm.s32 $0x116B0  }
0x102: {  	[tilespmem:s1+$0x0] =	vst.add.f32.msk $0xffff, v2  }
0x103: {  	[tilespmem:s1+$0xFFFFFFE0] =	vst.add.f32.msk $0xffff, v3  }
0x104: {  	s29 =	simm.s32 $0x11BE0;
	s28 =	simm.s32 $0x0;
	[tilespmem:s1+$0xFFFFFFF0] =	vst.add.f32.msk $0xffff, v4  }
.LBB2_7:
0x105: {  	v2 =	vld [tilespmem:s29+$0x10];
	s28 =	sadd.s32 $0x4, s28;
	v3 =	vmov v1  }
0x106: {  	v4 =	vld [tilespmem:s29+$0xFFFFFFF0];
	p0 =	slt.u32 s28, $0x4C  }
0x107: {  	v5 =	vld [tilespmem:s29+$0x0]  }
.Ltmp2:
0x108: {  	v1 =	vld [tilespmem:s29+$0xFFFFFFE0];
	(pc) =	sbr.rel @p0 .LBB2_7-.Ltmp2, $4  }
0x109: {  	[tilespmem:s1+$0xFFFFFFD0] =	vst.add.f32.msk $0xffff, v3;
	s1 =	sadd.s32 $0x40, s1  }
0x10a: {  	[tilespmem:s1+$0x0] =	vst.add.f32.msk $0xffff, v2  }
0x10b: {  	[tilespmem:s1+$0xFFFFFFE0] =	vst.add.f32.msk $0xffff, v4  }
0x10c: {  	s29 =	sadd.s32 $0x40, s29;
	[tilespmem:s1+$0xFFFFFFF0] =	vst.add.f32.msk $0xffff, v5  }
0x10d: {  	[tilespmem:s1+$0xFFFFFFD0] =	vst.add.f32.msk $0xffff, v1  }
0x10e: {  	_ =	swait.ge [sflag:s17], $0x500  }
0x10f: {  	[sflag:s17] =	ssyncset.done $0x0  }
0x110: {  	s28 =	simm.s32 $0x120A0;
	[sflag:s17] =	ssyncadd.s32 $0xFFFFFB00  }
0x111: {  	v2 =	vld [tilespmem:s28+$0x10]  }
0x112: {  	v3 =	vld [tilespmem:s28+$0xFFFFFFF0]  }
0x113: {  	v4 =	vld [tilespmem:s28+$0x0]  }
0x114: {  	v1 =	vld [tilespmem:s28+$0xFFFFFFE0]  }
0x115: {  	s1 =	simm.s32 $0x116B0  }
0x116: {  	[tilespmem:s1+$0x0] =	vst.add.f32.msk $0xffff, v2  }
0x117: {  	[tilespmem:s1+$0xFFFFFFE0] =	vst.add.f32.msk $0xffff, v3  }
0x118: {  	s29 =	simm.s32 $0x120E0;
	s28 =	simm.s32 $0x0;
	[tilespmem:s1+$0xFFFFFFF0] =	vst.add.f32.msk $0xffff, v4  }
.LBB2_9:
0x119: {  	v2 =	vld [tilespmem:s29+$0x10];
	s28 =	sadd.s32 $0x4, s28;
	v3 =	vmov v1  }
0x11a: {  	v4 =	vld [tilespmem:s29+$0xFFFFFFF0];
	p0 =	slt.u32 s28, $0x4C  }
0x11b: {  	v5 =	vld [tilespmem:s29+$0x0]  }
.Ltmp3:
0x11c: {  	v1 =	vld [tilespmem:s29+$0xFFFFFFE0];
	(pc) =	sbr.rel @p0 .LBB2_9-.Ltmp3, $4  }
0x11d: {  	[tilespmem:s1+$0xFFFFFFD0] =	vst.add.f32.msk $0xffff, v3;
	s1 =	sadd.s32 $0x40, s1  }
0x11e: {  	[tilespmem:s1+$0x0] =	vst.add.f32.msk $0xffff, v2  }
0x11f: {  	[tilespmem:s1+$0xFFFFFFE0] =	vst.add.f32.msk $0xffff, v4  }
0x120: {  	s29 =	sadd.s32 $0x40, s29;
	[tilespmem:s1+$0xFFFFFFF0] =	vst.add.f32.msk $0xffff, v5  }
0x121: {  	s0 =	sadd.s32 $0x1, s0  }
0x122: {  	p0 =	sne.s32 s0, $0x7  }
.Ltmp4:
0x123: {  	_ = 	snop;
	(pc) =	sbr.rel @p0 .LBB2_6-.Ltmp4, $2  }
0x124: {  	_ =	sdelay $0x2  }
0x125: {  	[tilespmem:s1+$0xFFFFFFD0] =	vst.add.f32.msk $0xffff, v1  }
0x126: {  	[tilespmem:s24], [sflag:$0x5] =	stream.strided.gather [spmem:s9], $0x500, s21, s20, $0x38;
	[tilespmem:$0x17580] =	vst v63  }
0x127: {  	_ =	swait.ge [sflag:s22], $0x500  }
0x128: {  	[sflag:s22] =	ssyncset.done $0x0  }
0x129: {  	s1 =	simm.s32 $0x11BA0;
	[sflag:s22] =	ssyncadd.s32 $0xFFFFFB00  }
0x12a: {  	v2 =	vld [tilespmem:s1+$0x10]  }
0x12b: {  	v3 =	vld [tilespmem:s1+$0xFFFFFFF0]  }
0x12c: {  	v4 =	vld [tilespmem:s1+$0x0]  }
0x12d: {  	v1 =	vld [tilespmem:s1+$0xFFFFFFE0]  }
0x12e: {  	s0 =	simm.s32 $0x116B0  }
0x12f: {  	[tilespmem:s0+$0x0] =	vst.add.f32.msk $0xffff, v2  }
0x130: {  	[tilespmem:s0+$0xFFFFFFE0] =	vst.add.f32.msk $0xffff, v3  }
0x131: {  	s28 =	simm.s32 $0x11BE0;
	s1 =	simm.s32 $0x0;
	[tilespmem:s0+$0xFFFFFFF0] =	vst.add.f32.msk $0xffff, v4  }
.LBB2_12:
0x132: {  	v2 =	vld [tilespmem:s28+$0x10];
	s1 =	sadd.s32 $0x4, s1;
	v3 =	vmov v1  }
0x133: {  	v4 =	vld [tilespmem:s28+$0xFFFFFFF0];
	p0 =	slt.u32 s1, $0x4C  }
0x134: {  	v5 =	vld [tilespmem:s28+$0x0]  }
.Ltmp5:
0x135: {  	v1 =	vld [tilespmem:s28+$0xFFFFFFE0];
	(pc) =	sbr.rel @p0 .LBB2_12-.Ltmp5, $4  }
0x136: {  	[tilespmem:s0+$0xFFFFFFD0] =	vst.add.f32.msk $0xffff, v3;
	s0 =	sadd.s32 $0x40, s0  }
0x137: {  	[tilespmem:s0+$0x0] =	vst.add.f32.msk $0xffff, v2  }
0x138: {  	[tilespmem:s0+$0xFFFFFFE0] =	vst.add.f32.msk $0xffff, v4  }
0x139: {  	s28 =	sadd.s32 $0x40, s28;
	[tilespmem:s0+$0xFFFFFFF0] =	vst.add.f32.msk $0xffff, v5  }
0x13a: {  	s26 =	sadd.s32 $0x1, s26  }
0x13b: {  	p0 =	sne.s32 s26, s10  }
.Ltmp6:
0x13c: {  	[tilespmem:s0+$0xFFFFFFD0] =	vst.add.f32.msk $0xffff, v1;
	(pc) =	sbr.rel @p0 .LBB2_1-.Ltmp6, $4  }
0x13d: {  	[hbm4b:s11+s2] =	stream.linear.scatter [tilespmem:s23], [sflag:$0x5], $0x500, $0x38;
	[tilespmem:$0x17580] =	vst v63  }
0x13e: {  	_ =	swait.ge [sflag:s22], $0x500  }
0x13f: {  	[sflag:s22] =	ssyncset.done $0x0  }
0x140: {  	[sflag:s22] =	ssyncadd.s32 $0xFFFFFB00  }
0x141: {  	_ =	sfence.sel $0x180000  }
0x142: {  	[bflag:$0x0] =	sbarrier.arrive $0xFFFF  }
0x143: {  	_ =	strace $0x9000004A  }
0x144: {  	s0 =	stileid.u32;
	[bflag:$0x2] =	sbarrier.arrive $0xFFFF  }
0x145: {  	p0 =	sne.s32 s0, $0x0;
	s0 =	rddreg [dreg:$0x3]  }
0x146: {  	s0 =	sadd.s32 @!p0 $0x100000, s0  }
0x147: {  	[sflag:s0] =	ssyncadd.tile.s32 @!p0 $0x1;
	_ =	shalt  }
.Lfunc_end2:
_tile_overlayer_lowered:
.L_overlay_start_2:
0x148: {  	(tag) =	ssettag $0x2  }
0x149: {  	s0 =	rddreg [dreg:$0x0];
	s2 =	stileid.u32  }
0x14a: {  	s1 =	rddreg [dreg:$0x1];
	p0 =	sne.s32 s2, $0x0  }
0x14b: {  	s3 =	rddreg [dreg:$0x2];
	[bflag:$0x3] =	sbarrier.arrive $0xFFFF;
	s2 =	simm.s32 @!p0 $0x1C05  }
0x14c: {  	[timem:s3], [sflag:s2] =	dma.local @!p0 [hbm:s0], s1  }
0x14d: {  	s0 =	simm.s32 @!p0 $0x5  }
0x14e: {  	_ =	swait.ge @!p0 [sflag:s0], s1  }
0x14f: {  	s1 =	ssub.s32 @!p0 $0x0, s1;
	[sflag:s0] =	ssyncset.done @!p0 $0x0  }
0x150: {  	[sflag:s0] =	ssyncadd.s32 @!p0 s1  }
0x151: {  	[bflag:$0x3] =	sbarrier.arrive $0xFFFF  }
0x152: {  	_ =	shalt  }

// kernel: kernel.7.cloned.1.call-start
scs
__scs_entry_jumppad:
0x0: {  	(pc) =	sbr.rel $0x88, $3  }
0x1: {  	(tag) =	ssettag $0x0;
	lr =	simm.s32 $0x1  }
0x2: {  	[smem:$0x3F9C] =	sst lr;
	_ =	strace $0xD0000000  }
0x3: {  	_ = 	snop  }
0x4: {  	_ = 	snop  }
0x5: {  	_ = 	snop  }
0x6: {  	_ = 	snop  }
0x7: {  	_ = 	snop  }
__scs_overlays_trampoline_lowered:
0x8: {  	[smem:$0x3FAB] =	sst s0  }
0x9: {  	[smem:$0x3FAC] =	sst s1  }
0xa: {  	[smem:$0x3FAD] =	sst s2  }
0xb: {  	[smem:$0x3FAE] =	sst s3  }
0xc: {  	[smem:$0x3FAF] =	sst s4  }
0xd: {  	[smem:$0x3FB0] =	sst s5  }
0xe: {  	[smem:$0x3FB1] =	sst s6  }
0xf: {  	[smem:$0x3FB2] =	sst s7  }
0x10: {  	[smem:$0x3FB3] =	sst s8  }
0x11: {  	[smem:$0x3FB4] =	sst s9;
	s0 =	simm.s32 @!p0 $0x0  }
0x12: {  	s1 =	sld [smem:$0x3F9A];
	s0 =	simm.s32 @p0 $0x1  }
0x13: {  	[smem:$0x3FB5] =	sst s0;
	s0 =	simm.s32 @!p1 $0x0  }
0x14: {  	s2 =	sld [smem:$0x3F99];
	s0 =	simm.s32 @p1 $0x1  }
0x15: {  	[smem:$0x3FB6] =	sst s0;
	s0 =	simm.s32 @!p2 $0x0  }
0x16: {  	s3 =	sld [smem:$0x3FDB];
	s0 =	simm.s32 @p2 $0x1  }
0x17: {  	s4 =	simm.s32 $0x1BF5;
	[smem:$0x3FB8] =	sst s0  }
0x18: {  	s0 =	sld [smem:$0x3F9B];
	_ =	swait.ge [sflag:s4], $0x0  }
0x19: {  	s7 =	sld [smem:$0x3F9C]  }
0x1a: {  	s8 =	sadd.s32 $0xFFFFE003, lr  }
0x1b: {  	s9 =	sadd.s32 $0xFFFFFEF7, lr;
	s5 =	simm.s32 $0xFFFFFFFF;
	p2 =	slt.u32 s8, $0xFFFFF086  }
0x1c: {  	p1 =	slt.u32 s9, $0xF7A;
	s5 =	simm.s32 @!p2 $0x0  }
0x1d: {  	s5 =	simm.s32 @p1 $0x1;
	p0 =	seq.s32 s7, s2  }
0x1e: {  	s7 =	smul.u32 @!p0 $0xF7A, s2;
	p2 =	seq.s32 @!p0 s5, $0x0  }
0x1f: {  	s9 =	smul.u32 $0xF7A, s1;
	s8 =	simm.s32 @!p0 $0x1BF5;
	p2 =	por !p2, p0  }
0x20: {  	[sflag:s8] =	ssyncset.s32 @!p0 $0xFFFFF086;
	s6 =	sadd.s32 @!p0 s3, s7;
	s7 =	simm.s32 @!p0 $0x108  }
0x21: {  	s3 =	sadd.s32 s3, s9;
	s6 =	sadd.s32 @!p0 $0x88, s6;
	s7 =	simm.s32 @p2 $0x1082  }
0x22: {  	[simem:s7], [sflag:s8] =	dma.local @!p0 [hbm:s6], $0xF7A  }
0x23: {  	s9 =	sor.u32 $0xD0000000, s2;
	s6 =	simm.s32 $0x108;
	_ =	swait.ge @!p0 [sflag:s8], $0x0  }
0x24: {  	s3 =	sadd.s32 $0x88, s3;
	s6 =	simm.s32 @!p1 $0x1082;
	[sflag:s4] =	ssyncset.s32 $0xFFFFF086  }
0x25: {  	[simem:s6], [sflag:s4] =	dma.local [hbm:s3], $0xF7A  }
0x26: {  	[smem:$0x3F9C] =	sst s1;
	(tag) =	ssettag s2;
	_ =	strace s9  }
0x27: {  	s1 =	sld [smem:$0x3FAC]  }
0x28: {  	s2 =	sld [smem:$0x3FAD]  }
0x29: {  	s4 =	sld [smem:$0x3FAF]  }
0x2a: {  	p0 =	seq.s32 s5, $0x0;
	s5 =	sld [smem:$0x3FB0]  }
0x2b: {  	s6 =	sld [smem:$0x3FB1]  }
0x2c: {  	s7 =	sld [smem:$0x3FB2]  }
0x2d: {  	s3 =	simm.s32 $0x108;
	s8 =	sld [smem:$0x3FB3]  }
0x2e: {  	s3 =	simm.s32 @!p0 $0x1082;
	s9 =	sld [smem:$0x3FB4]  }
0x2f: {  	lr =	sadd.s32 s0, s3;
	s0 =	sld [smem:$0x3FAB]  }
0x30: {  	s3 =	sld [smem:$0x3FAE]  }
0x31: {  	[smem:$0x3FB7] =	sst s10  }
0x32: {  	s10 =	sld [smem:$0x3FB5];
	_ =	sdelay $0x3  }
0x33: {  	p0 =	seq.s32 s10, $0x1;
	s10 =	sld [smem:$0x3FB7];
	_ =	sdelay $0x3  }
0x34: {  	[smem:$0x3FB7] =	sst s10  }
0x35: {  	s10 =	sld [smem:$0x3FB6];
	_ =	sdelay $0x3  }
0x36: {  	p1 =	seq.s32 s10, $0x1;
	s10 =	sld [smem:$0x3FB7];
	_ =	sdelay $0x3  }
0x37: {  	[smem:$0x3FB7] =	sst s10  }
0x38: {  	s10 =	sld [smem:$0x3FB8]  }
0x39: {  	_ = 	snop;
	(pc) =	sbr.ind lr, $3  }
0x3a: {  	_ = 	snop  }
0x3b: {  	_ = 	snop  }
0x3c: {  	p2 =	seq.s32 s10, $0x1;
	s10 =	sld [smem:$0x3FB7]  }
0x3d: {  	_ =	shalt  }
0x3e: {  	_ =	shalt  }
0x3f: {  	_ =	shalt  }
0x40: {  	_ =	shalt  }
0x41: {  	_ =	shalt  }
0x42: {  	_ =	shalt  }
0x43: {  	_ =	shalt  }
0x44: {  	_ =	shalt  }
0x45: {  	_ =	shalt  }
0x46: {  	_ =	shalt  }
0x47: {  	_ =	shalt  }
0x48: {  	_ =	shalt  }
0x49: {  	_ =	shalt  }
0x4a: {  	_ =	shalt  }
0x4b: {  	_ =	shalt  }
0x4c: {  	_ =	shalt  }
0x4d: {  	_ =	shalt  }
0x4e: {  	_ =	shalt  }
0x4f: {  	_ =	shalt  }
0x50: {  	_ =	shalt  }
0x51: {  	_ =	shalt  }
0x52: {  	_ =	shalt  }
0x53: {  	_ =	shalt  }
0x54: {  	_ =	shalt  }
0x55: {  	_ =	shalt  }
0x56: {  	_ =	shalt  }
0x57: {  	_ =	shalt  }
0x58: {  	_ =	shalt  }
0x59: {  	_ =	shalt  }
0x5a: {  	_ =	shalt  }
0x5b: {  	_ =	shalt  }
0x5c: {  	_ =	shalt  }
0x5d: {  	_ =	shalt  }
0x5e: {  	_ =	shalt  }
0x5f: {  	_ =	shalt  }
0x60: {  	_ =	shalt  }
0x61: {  	_ =	shalt  }
0x62: {  	_ =	shalt  }
0x63: {  	_ =	shalt  }
0x64: {  	_ =	shalt  }
0x65: {  	_ =	shalt  }
0x66: {  	_ =	shalt  }
0x67: {  	_ =	shalt  }
0x68: {  	_ =	shalt  }
0x69: {  	_ =	shalt  }
0x6a: {  	_ =	shalt  }
0x6b: {  	_ =	shalt  }
0x6c: {  	_ =	shalt  }
0x6d: {  	_ =	shalt  }
0x6e: {  	_ =	shalt  }
0x6f: {  	_ =	shalt  }
0x70: {  	_ =	shalt  }
0x71: {  	_ =	shalt  }
0x72: {  	_ =	shalt  }
0x73: {  	_ =	shalt  }
0x74: {  	_ =	shalt  }
0x75: {  	_ =	shalt  }
0x76: {  	_ =	shalt  }
0x77: {  	_ =	shalt  }
0x78: {  	_ =	shalt  }
0x79: {  	_ =	shalt  }
0x7a: {  	_ =	shalt  }
0x7b: {  	_ =	shalt  }
0x7c: {  	_ =	shalt  }
0x7d: {  	_ =	shalt  }
0x7e: {  	_ =	shalt  }
0x7f: {  	_ =	shalt  }
0x80: {  	_ =	shalt  }
0x81: {  	_ =	shalt  }
0x82: {  	_ =	shalt  }
0x83: {  	_ =	shalt  }
0x84: {  	_ =	shalt  }
0x85: {  	_ =	shalt  }
0x86: {  	_ =	shalt  }
0x87: {  	_ =	shalt  }
.Lfunc_end0:
.L_simem_size_0:
called_computation_lowered:
.L_overlay_start_0:
0x88: {  	s2 =	sld [smem:$0x3FD9]  }
0x89: {  	s3 =	sld [smem:$0x3FFE];
	_ =	sdelay $0x1  }
0x8a: {  	s1 =	srdreg.scid  }
0x8b: {  	s0 =	sand.u32 $0x1, s1  }
0x8c: {  	s17 =	sshll.u32 s0, $0xA;
	s2 =	sadd.s32 s3, s2  }
0x8d: {  	s2 =	sadd.s32 s2, s17  }
0x8e: {  	[smem:$0x3FC3] =	sst s2  }
0x8f: {  	_ = 	snop  }
0x90: {  	s2 =	sld [smem:$0x3FC7]  }
0x91: {  	s18 =	sld [smem:$0x3FD0];
	(tm) =	ssettm $0x1  }
0x92: {  	s4 =	sld [smem:$0x3FFB];
	_ =	sdelay $0x3  }
0x93: {  	_ =	strace s4  }
0x94: {  	s4 =	sld [smem:$0x3FFC];
	_ =	sdelay $0x3  }
0x95: {  	_ =	strace s4  }
0x96: {  	s4 =	sld [smem:$0x3FFD];
	_ =	sdelay $0x3  }
0x97: {  	_ =	strace s4  }
0x98: {  	_ =	strace $0x8FFFFFFF  }
0x99: {  	s19 =	sld [smem:$0x3FDB];
	_ =	sdelay $0x1  }
0x9a: {  	s5 =	simm.s32 $_scs_section_size  }
0x9b: {  	s6 =	simm.s32 $_size__tile_overlayer_lowered;
	s7 =	simm.s32 $_tile_overlayer_lowered  }
0x9c: {  	s22 =	simm.s32 $0x1BFF;
	s21 =	sshll.u32 s7, $0x1;
	s4 =	sadd.s32 s5, s19  }
0x9d: {  	s8 =	simm.s32 $0x0;
	s20 =	sshll.u32 s6, $0x1;
	s6 =	sadd.s32 s21, s4  }
0x9e: {  	[timem:s8], [sflag:s22] =	dma.local [hbm:s6], s20  }
0x9f: {  	_ =	swait.ge [sflag:s22], s20  }
0xa0: {  	s5 =	ssub.s32 $0x0, s20;
	[sflag:s22] =	ssyncset.done $0x0  }
0xa1: {  	[sflag:s22] =	ssyncadd.s32 s5;
	_ =	sdelay $0x1  }
0xa2: {  	s23 =	simm.s32 $0x1B8B  }
0xa3: {  	_ =	swait.ge [sflag:s23], $0x1  }
0xa4: {  	[sflag:s23] =	ssyncset.done $0x0  }
0xa5: {  	s25 =	simm.s32 $0x1B8E;
	s24 =	sld [smem:$0x3FFE];
	[sflag:s23] =	ssyncadd.s32 $0xFFFFFFFF  }
0xa6: {  	s26 =	simm.s32 $execute0_lowered;
	[smem:$0x3FD2] =	sst s25  }
0xa7: {  	s6 =	sshll.u32 s26, $0x1;
	_ =	strace $0x80000046;
	[dreg:$0x1] =	wrdreg $0xFFFFFFFF  }
0xa8: {  	s28 =	simm.s32 $_size_execute0_lowered;
	s4 =	sadd.s32 s4, s6;
	[dreg:$0x0] =	wrdreg $0x0  }
0xa9: {  	s6 =	sshll.u32 s28, $0x1;
	[dreg:$0x2] =	wrdreg s4  }
0xaa: {  	[dreg:$0x3] =	wrdreg s6  }
0xab: {  	[dreg:$0x4] =	wrdreg $0xC0  }
0xac: {  	_ =	task [dreg:s8], $0x5FFFF  }
0xad: {  	[dreg:$0x1] =	wrdreg $0xFFFFFFFF  }
0xae: {  	[dreg:$0x0] =	wrdreg $0x60  }
0xaf: {  	[dreg:$0x2] =	wrdreg s24  }
0xb0: {  	[dreg:$0x3] =	wrdreg s2  }
0xb1: {  	[dreg:$0x4] =	wrdreg s18  }
0xb2: {  	[dreg:$0x5] =	wrdreg $0x7E800  }
0xb3: {  	[dreg:$0x6] =	wrdreg $0x9  }
0xb4: {  	_ =	task.clear_ibuf [dreg:s8], $0x7FFFF;
	_ =	strace $0x90000046  }
0xb5: {  	s29 =	simm.s32 $0x9;
	_ =	strace $0x80000048  }
0xb6: {  	_ =	swait.ge [sflag:s29], $0x1  }
0xb7: {  	[sflag:s29] =	ssyncadd.s32 $0xFFFFFFFF  }
0xb8: {  	_ =	strace $0x90000048  }
0xb9: {  	_ =	sfence  }
0xba: {  	s30 =	sld [smem:$0x0];
	_ =	sdelay $0x2  }
0xbb: {  	s31 =	sshll.u32 s1, $0xD;
	s1 =	sshrl.u32 s1, $0x2  }
0xbc: {  	s3 =	sand.u32 $0x4000, s31;
	s1 =	sadd.s32 s1, s30  }
0xbd: {  	s0 =	sor.u32 s3, s0;
	s1 =	sshll.u32 s1, $0x11  }
0xbe: {  	s0 =	sor.u32 s1, s0  }
0xbf: {  	s0 =	sadd.s32 $0x8F2B, s0  }
0xc0: {  	[sflag:s0] =	ssyncadd.remote.s32 $0x1  }
0xc1: {  	_ =	sfence.sel $0xFFFF  }
0xc2: {  	[dreg:$0x0] =	wrdreg $0xFFFFFFFF;
	(pc) =	sbr.abs _section_cstart, $3  }
0xc3: {  	[dreg:$0x1] =	wrdreg $0xFFFFFFFF  }
0xc4: {  	_ =	task.clear_ibuf [dreg:s8], $0x2FFFF;
	_ =	strace $0x9FFFFFFF  }
0xc5: {  	(tm) =	ssettm $0x7FFFFFFF  }
tec
execute0_lowered:
.L_overlay_start_1:
0x0: {  	(tag) =	ssettag $0x1  }
0x1: {  	s3 =	rddreg [dreg:$0x0]  }
0x2: {  	s4 =	rddreg [dreg:$0x1]  }
0x3: {  	s9 =	rddreg [dreg:$0x2]  }
0x4: {  	s6 =	rddreg [dreg:$0x3]  }
0x5: {  	s0 =	rddreg [dreg:$0x4];
	s5 =	srdreg.scid  }
0x6: {  	s1 =	stileid.u32;
	s2 =	simm.s32 $0x0;
	s15 =	simm.s32 $0x400  }
0x7: {  	s16 =	simm.s32 $0x3;
	s17 =	simm.s32 $0x7700;
	s18 =	simm.s32 $0x7980  }
0x8: {  	s19 =	simm.s32 $0x7C00;
	s20 =	simm.s32 $0x0;
	s7 =	sand.u32 $0x1, s5  }
0x9: {  	s28 =	sshll.u32 s1, $0x1;
	[smem:$0x7FF] =	sst s2;
	s10 =	sshrl.u32 s1, $0x3  }
0xa: {  	s13 =	sadd.s32 $0x16400, s3;
	s29 =	sshll.u32 s1, $0x7;
	s14 =	smul.u32 $0x5000, s1  }
0xb: {  	s31 =	smul.u32 $0x50, s1;
	s5 =	sor.u32 s7, s28;
	s8 =	ssub.s32 $0x2, s7  }
0xc: {  	_ =	strace $0x80000047;
	s10 =	smul.u32 $0x50000, s10;
	p0 =	seq.s32 s7, $0x1  }
0xd: {  	s5 =	smul.u32 $0x4E2, s5;
	s11 =	sshrl.u32 s8, $0x1;
	s30 =	sshrl.u32 s14, $0x2  }
0xe: {  	s9 =	smov.u32 @p0 s13;
	s13 =	simm.s32 $0x4F00;
	s14 =	simm.s32 $0x80  }
0xf: {  	s8 =	ssub.s32 s8, s11;
	s10 =	sshrl.u32 s10, $0x2;
	s11 =	sand.u32 $0x380, s29  }
0x10: {  	s9 =	sadd.s32 s9, s31;
	s12 =	sadd.s32 s5, s3;
	s10 =	sadd.s32 s10, s6  }
0x11: {  	s4 =	sadd.s32 s4, s5;
	s6 =	sadd.s32 s30, s6;
	s8 =	smax.u32 s8, $0x1  }
0x12: {  	s3 =	sadd.s32 $0x2A00, s12;
	s5 =	sadd.s32 s11, s10;
	s7 =	sadd.s32 $0x14380, s6  }
0x13: {  	v0 =	vimm.f32 $0.0e+00;
	s10 =	simm.s32 $0x2780;
	s11 =	simm.s32 $0x1;
	s12 =	simm.s32 $0x2  }
.LBB2_1:
0x14: {  	[tilespmem:s2], [sflag:$0x1] =	stream.linear.gather [hbm4b:s3+s2], $0x2710, $0x38;
	[tilespmem:$0xA680] =	vst v63  }
0x15: {  	s21 =	simm.s32 $0x4F40  }
0x16: {  	[tilespmem:s10], [sflag:$0x2] =	stream.linear.gather [hbm4b:s4+s2], $0x2710, $0x38;
	[tilespmem:$0xA680] =	vst v63  }
0x17: {  	[tilespmem:s21+$0xFFFFFFC0] =	vst v0  }
0x18: {  	[tilespmem:s21+$0x30] =	vst v0  }
0x19: {  	[tilespmem:s21+$0x20] =	vst v0  }
0x1a: {  	[tilespmem:s21+$0x10] =	vst v0  }
0x1b: {  	[tilespmem:s21+$0x0] =	vst v0  }
0x1c: {  	[tilespmem:s21+$0xFFFFFFF0] =	vst v0  }
0x1d: {  	s22 =	simm.s32 $0x0;
	[tilespmem:s21+$0xFFFFFFE0] =	vst v0  }
.LBB2_2:
0x1e: {  	s22 =	sadd.s32 $0x8, s22;
	[tilespmem:s21+$0xFFFFFFD0] =	vst v0;
	s21 =	sadd.s32 $0x80, s21  }
0x1f: {  	[tilespmem:s21+$0xFFFFFFC0] =	vst v0;
	p0 =	slt.u32 s22, $0x278  }
0x20: {  	[tilespmem:s21+$0x30] =	vst v0  }
.Ltmp0:
0x21: {  	[tilespmem:s21+$0x20] =	vst v0;
	(pc) =	sbr.rel @p0 .LBB2_2-.Ltmp0, $4  }
0x22: {  	[tilespmem:s21+$0x10] =	vst v0  }
0x23: {  	[tilespmem:s21+$0x0] =	vst v0  }
0x24: {  	[tilespmem:s21+$0xFFFFFFF0] =	vst v0  }
0x25: {  	[tilespmem:s21+$0xFFFFFFE0] =	vst v0  }
0x26: {  	[tilespmem:s21+$0xFFFFFFD0] =	vst v0  }
0x27: {  	_ =	swait.ge [sflag:s11], $0x2710  }
0x28: {  	[sflag:s11] =	ssyncset.done $0x0  }
0x29: {  	[sflag:s11] =	ssyncadd.s32 $0xFFFFD8F0  }
0x2a: {  	_ =	swait.ge [sflag:s12], $0x2710  }
0x2b: {  	[sflag:s12] =	ssyncset.done $0x0  }
0x2c: {  	s23 =	simm.s32 $0x2840;
	[sflag:s12] =	ssyncadd.s32 $0xFFFFD8F0  }
0x2d: {  	s21 =	simm.s32 $0x0;
	s22 =	simm.s32 $0xC0;
	v1 =	vld [tilespmem:s23+$0xB0]  }
0x2e: {  	s24 =	sand.u32 $0x3FF0, s21;
	v2 =	vld [tilespmem:s22+$0xB0]  }
0x2f: {  	v3 =	vld [tilespmem:s24+$0x180]  }
0x30: {  	v4 =	vld [tilespmem:s24+$0x80]  }
0x31: {  	v5 =	vld [tilespmem:s24+$0x100]  }
0x32: {  	v6 =	vld [tilespmem:s24+$0x2900]  }
0x33: {  	v7 =	vld [tilespmem:s24+$0x2800]  }
0x34: {  	v8 =	vld [tilespmem:s24+$0x2880]  }
0x35: {  	v9 =	vld [tilespmem:s22+$0xFFFFFF50]  }
0x36: {  	v59 =	vld [tilespmem:s22+$0xFFFFFF90]  }
0x37: {  	v60 =	vld [tilespmem:s22+$0xFFFFFFA0]  }
0x38: {  	v61 =	vld [tilespmem:s22+$0xFFFFFFB0]  }
0x39: {  	v62 =	vld [tilespmem:s22+$0xFFFFFFD0]  }
0x3a: {  	v63 =	vld [tilespmem:s22+$0xFFFFFFE0]  }
0x3b: {  	v10 =	vld [tilespmem:s22+$0xFFFFFFF0]  }
0x3c: {  	v11 =	vld [tilespmem:s22+$0x0]  }
0x3d: {  	v12 =	vld [tilespmem:s22+$0x10]  }
0x3e: {  	v13 =	vld [tilespmem:s22+$0x20]  }
0x3f: {  	v14 =	vld [tilespmem:s22+$0x30]  }
0x40: {  	v15 =	vld [tilespmem:s22+$0x50]  }
0x41: {  	v16 =	vld [tilespmem:s22+$0x60]  }
0x42: {  	v17 =	vld [tilespmem:s22+$0x70]  }
0x43: {  	v18 =	vld [tilespmem:s22+$0x80]  }
0x44: {  	v19 =	vld [tilespmem:s22+$0x90]  }
0x45: {  	v20 =	vld [tilespmem:s22+$0xA0]  }
0x46: {  	v21 =	vld [tilespmem:s22+$0xFFFFFF40]  }
0x47: {  	v22 =	vld [tilespmem:s23+$0xFFFFFF40]  }
0x48: {  	v23 =	vld [tilespmem:s23+$0xFFFFFF50]  }
0x49: {  	v24 =	vld [tilespmem:s23+$0xFFFFFF60]  }
0x4a: {  	v25 =	vld [tilespmem:s23+$0xFFFFFF70]  }
0x4b: {  	v26 =	vld [tilespmem:s23+$0xFFFFFF80]  }
0x4c: {  	v27 =	vld [tilespmem:s23+$0xFFFFFF90]  }
0x4d: {  	v28 =	vld [tilespmem:s23+$0xFFFFFFA0]  }
0x4e: {  	v29 =	vld [tilespmem:s23+$0xFFFFFFB0]  }
0x4f: {  	v30 =	vld [tilespmem:s23+$0xFFFFFFD0]  }
0x50: {  	v31 =	vld [tilespmem:s23+$0xFFFFFFE0]  }
0x51: {  	v32 =	vld [tilespmem:s23+$0xFFFFFFF0]  }
0x52: {  	v33 =	vld [tilespmem:s23+$0x0]  }
0x53: {  	v34 =	vld [tilespmem:s23+$0x10]  }
0x54: {  	v35 =	vld [tilespmem:s23+$0x20]  }
0x55: {  	v36 =	vld [tilespmem:s23+$0x30]  }
0x56: {  	v37 =	vld [tilespmem:s23+$0x50]  }
0x57: {  	v38 =	vld [tilespmem:s23+$0x60]  }
0x58: {  	v39 =	vld [tilespmem:s23+$0x70]  }
0x59: {  	v40 =	vld [tilespmem:s23+$0x80]  }
0x5a: {  	v41 =	vld [tilespmem:s23+$0x90]  }
0x5b: {  	v42 =	vld [tilespmem:s23+$0xA0]  }
0x5c: {  	[tilespmem:v2+s13+$0x0] =	vst.idx.add.f32.msk $0xffff, v1  }
0x5d: {  	[tilespmem:v3+s13+$0x0] =	vst.idx.add.f32.msk $0xffff, v6  }
0x5e: {  	[tilespmem:v4+s13+$0x0] =	vst.idx.add.f32.msk $0xffff, v7  }
0x5f: {  	[tilespmem:v5+s13+$0x0] =	vst.idx.add.f32.msk $0xffff, v8  }
0x60: {  	v1 =	vld [tilespmem:s22+$0xFFFFFF60]  }
0x61: {  	v2 =	vld [tilespmem:s22+$0xFFFFFF70]  }
0x62: {  	v3 =	vld [tilespmem:s22+$0xFFFFFF80]  }
0x63: {  	[tilespmem:v21+s13+$0x0] =	vst.idx.add.f32.msk $0xffff, v22  }
0x64: {  	[tilespmem:v9+s13+$0x0] =	vst.idx.add.f32.msk $0xffff, v23  }
0x65: {  	[tilespmem:v59+s13+$0x0] =	vst.idx.add.f32.msk $0xffff, v27  }
0x66: {  	[tilespmem:v60+s13+$0x0] =	vst.idx.add.f32.msk $0xffff, v28  }
0x67: {  	[tilespmem:v61+s13+$0x0] =	vst.idx.add.f32.msk $0xffff, v29  }
0x68: {  	[tilespmem:v62+s13+$0x0] =	vst.idx.add.f32.msk $0xffff, v30  }
0x69: {  	[tilespmem:v63+s13+$0x0] =	vst.idx.add.f32.msk $0xffff, v31  }
0x6a: {  	[tilespmem:v10+s13+$0x0] =	vst.idx.add.f32.msk $0xffff, v32  }
0x6b: {  	[tilespmem:v11+s13+$0x0] =	vst.idx.add.f32.msk $0xffff, v33  }
0x6c: {  	[tilespmem:v12+s13+$0x0] =	vst.idx.add.f32.msk $0xffff, v34  }
0x6d: {  	[tilespmem:v13+s13+$0x0] =	vst.idx.add.f32.msk $0xffff, v35  }
0x6e: {  	[tilespmem:v14+s13+$0x0] =	vst.idx.add.f32.msk $0xffff, v36  }
0x6f: {  	[tilespmem:v15+s13+$0x0] =	vst.idx.add.f32.msk $0xffff, v37  }
0x70: {  	[tilespmem:v16+s13+$0x0] =	vst.idx.add.f32.msk $0xffff, v38  }
0x71: {  	[tilespmem:v17+s13+$0x0] =	vst.idx.add.f32.msk $0xffff, v39  }
0x72: {  	[tilespmem:v18+s13+$0x0] =	vst.idx.add.f32.msk $0xffff, v40  }
0x73: {  	[tilespmem:v19+s13+$0x0] =	vst.idx.add.f32.msk $0xffff, v41  }
0x74: {  	[tilespmem:v20+s13+$0x0] =	vst.idx.add.f32.msk $0xffff, v42  }
0x75: {  	[tilespmem:v1+s13+$0x0] =	vst.idx.add.f32.msk $0xffff, v24  }
0x76: {  	[tilespmem:v2+s13+$0x0] =	vst.idx.add.f32.msk $0xffff, v25  }
0x77: {  	s23 =	simm.s32 $0x0;
	s24 =	simm.s32 $0x29D0;
	[tilespmem:v3+s13+$0x0] =	vst.idx.add.f32.msk $0xffff, v26  }
.LBB2_4:
0x78: {  	v1 =	vld [tilespmem:s24+$0xB0];
	s21 =	sadd.s32 $0x190, s21;
	s22 =	sadd.s32 $0x190, s22  }
0x79: {  	s23 =	sadd.s32 $0x19, s23;
	s25 =	sand.u32 $0x3FF0, s21;
	v2 =	vld [tilespmem:s22+$0xB0]  }
0x7a: {  	p0 =	slt.u32 s23, $0x258;
	v3 =	vld [tilespmem:s25+$0x180]  }
0x7b: {  	v4 =	vld [tilespmem:s25+$0x80]  }
0x7c: {  	v5 =	vld [tilespmem:s25+$0x100]  }
0x7d: {  	v6 =	vld [tilespmem:s25+$0x2900]  }
0x7e: {  	v7 =	vld [tilespmem:s25+$0x2800]  }
0x7f: {  	v8 =	vld [tilespmem:s25+$0x2880]  }
0x80: {  	v9 =	vld [tilespmem:s22+$0xFFFFFF50]  }
0x81: {  	[tilespmem:v2+s13+$0x0] =	vst.idx.add.f32.msk $0xffff, v1  }
0x82: {  	[tilespmem:v3+s13+$0x0] =	vst.idx.add.f32.msk $0xffff, v6  }
0x83: {  	[tilespmem:v4+s13+$0x0] =	vst.idx.add.f32.msk $0xffff, v7  }
0x84: {  	[tilespmem:v5+s13+$0x0] =	vst.idx.add.f32.msk $0xffff, v8  }
0x85: {  	v1 =	vld [tilespmem:s22+$0xFFFFFF60]  }
0x86: {  	v2 =	vld [tilespmem:s22+$0xFFFFFF70]  }
0x87: {  	v3 =	vld [tilespmem:s22+$0xFFFFFF80]  }
0x88: {  	v4 =	vld [tilespmem:s22+$0xFFFFFF90]  }
0x89: {  	v5 =	vld [tilespmem:s22+$0xFFFFFFA0]  }
0x8a: {  	v6 =	vld [tilespmem:s22+$0xFFFFFFB0]  }
0x8b: {  	v7 =	vld [tilespmem:s22+$0xFFFFFFD0]  }
0x8c: {  	v8 =	vld [tilespmem:s22+$0xFFFFFFE0]  }
0x8d: {  	v10 =	vld [tilespmem:s22+$0xFFFFFFF0]  }
0x8e: {  	v11 =	vld [tilespmem:s22+$0x0]  }
0x8f: {  	v12 =	vld [tilespmem:s22+$0x10]  }
0x90: {  	v13 =	vld [tilespmem:s22+$0x20]  }
0x91: {  	v14 =	vld [tilespmem:s22+$0x30]  }
0x92: {  	v15 =	vld [tilespmem:s22+$0x50]  }
0x93: {  	v16 =	vld [tilespmem:s22+$0x60]  }
0x94: {  	v17 =	vld [tilespmem:s22+$0x70]  }
0x95: {  	v18 =	vld [tilespmem:s22+$0x80]  }
0x96: {  	v19 =	vld [tilespmem:s22+$0x90]  }
0x97: {  	v20 =	vld [tilespmem:s22+$0xA0]  }
0x98: {  	v21 =	vld [tilespmem:s22+$0xFFFFFF40]  }
0x99: {  	v22 =	vld [tilespmem:s24+$0xFFFFFF40]  }
0x9a: {  	v23 =	vld [tilespmem:s24+$0xFFFFFF50]  }
0x9b: {  	v24 =	vld [tilespmem:s24+$0xFFFFFF60]  }
0x9c: {  	v25 =	vld [tilespmem:s24+$0xFFFFFF70]  }
0x9d: {  	v26 =	vld [tilespmem:s24+$0xFFFFFF80]  }
0x9e: {  	v27 =	vld [tilespmem:s24+$0xFFFFFF90]  }
0x9f: {  	v28 =	vld [tilespmem:s24+$0xFFFFFFA0]  }
0xa0: {  	v29 =	vld [tilespmem:s24+$0xFFFFFFB0]  }
0xa1: {  	v30 =	vld [tilespmem:s24+$0xFFFFFFD0]  }
0xa2: {  	v31 =	vld [tilespmem:s24+$0xFFFFFFE0]  }
0xa3: {  	v32 =	vld [tilespmem:s24+$0xFFFFFFF0]  }
0xa4: {  	v33 =	vld [tilespmem:s24+$0x0]  }
0xa5: {  	v34 =	vld [tilespmem:s24+$0x10]  }
0xa6: {  	v35 =	vld [tilespmem:s24+$0x20]  }
0xa7: {  	v36 =	vld [tilespmem:s24+$0x30]  }
0xa8: {  	v37 =	vld [tilespmem:s24+$0x50]  }
0xa9: {  	v38 =	vld [tilespmem:s24+$0x60]  }
0xaa: {  	v39 =	vld [tilespmem:s24+$0x70]  }
0xab: {  	v40 =	vld [tilespmem:s24+$0x80]  }
0xac: {  	v41 =	vld [tilespmem:s24+$0x90]  }
0xad: {  	v42 =	vld [tilespmem:s24+$0xA0]  }
0xae: {  	[tilespmem:v21+s13+$0x0] =	vst.idx.add.f32.msk $0xffff, v22  }
0xaf: {  	[tilespmem:v9+s13+$0x0] =	vst.idx.add.f32.msk $0xffff, v23  }
0xb0: {  	[tilespmem:v1+s13+$0x0] =	vst.idx.add.f32.msk $0xffff, v24  }
0xb1: {  	[tilespmem:v2+s13+$0x0] =	vst.idx.add.f32.msk $0xffff, v25  }
0xb2: {  	[tilespmem:v3+s13+$0x0] =	vst.idx.add.f32.msk $0xffff, v26  }
0xb3: {  	[tilespmem:v4+s13+$0x0] =	vst.idx.add.f32.msk $0xffff, v27  }
0xb4: {  	[tilespmem:v5+s13+$0x0] =	vst.idx.add.f32.msk $0xffff, v28  }
0xb5: {  	[tilespmem:v6+s13+$0x0] =	vst.idx.add.f32.msk $0xffff, v29  }
0xb6: {  	[tilespmem:v7+s13+$0x0] =	vst.idx.add.f32.msk $0xffff, v30  }
0xb7: {  	[tilespmem:v8+s13+$0x0] =	vst.idx.add.f32.msk $0xffff, v31  }
0xb8: {  	[tilespmem:v10+s13+$0x0] =	vst.idx.add.f32.msk $0xffff, v32  }
0xb9: {  	[tilespmem:v11+s13+$0x0] =	vst.idx.add.f32.msk $0xffff, v33  }
0xba: {  	[tilespmem:v12+s13+$0x0] =	vst.idx.add.f32.msk $0xffff, v34  }
0xbb: {  	[tilespmem:v13+s13+$0x0] =	vst.idx.add.f32.msk $0xffff, v35  }
0xbc: {  	[tilespmem:v14+s13+$0x0] =	vst.idx.add.f32.msk $0xffff, v36  }
0xbd: {  	[tilespmem:v15+s13+$0x0] =	vst.idx.add.f32.msk $0xffff, v37  }
.Ltmp1:
0xbe: {  	[tilespmem:v16+s13+$0x0] =	vst.idx.add.f32.msk $0xffff, v38;
	(pc) =	sbr.rel @p0 .LBB2_4-.Ltmp1, $4  }
0xbf: {  	[tilespmem:v17+s13+$0x0] =	vst.idx.add.f32.msk $0xffff, v39  }
0xc0: {  	[tilespmem:v18+s13+$0x0] =	vst.idx.add.f32.msk $0xffff, v40  }
0xc1: {  	[tilespmem:v19+s13+$0x0] =	vst.idx.add.f32.msk $0xffff, v41  }
0xc2: {  	s24 =	sadd.s32 $0x190, s24;
	[tilespmem:v20+s13+$0x0] =	vst.idx.add.f32.msk $0xffff, v42  }
0xc3: {  	[spmem:s5] =	stream.strided.scatter [tilespmem:s13], [sflag:$0x3], $0x2800, s15, s14, $0x38;
	[tilespmem:$0xA680] =	vst v63  }
0xc4: {  	_ =	swait.ge [sflag:s16], $0x2800  }
0xc5: {  	[sflag:s16] =	ssyncset.done $0x0  }
0xc6: {  	[sflag:s16] =	ssyncadd.s32 $0xFFFFD800  }
0xc7: {  	[bflag:$0x0] =	sbarrier.arrive $0xFFFF  }
0xc8: {  	[tilespmem:s17], [sflag:$0x3] =	stream.strided.gather [spmem:s6], $0x280, s15, s14, $0x38;
	[tilespmem:$0xA680] =	vst v63  }
0xc9: {  	_ =	swait.ge [sflag:s16], $0x280  }
0xca: {  	[sflag:s16] =	ssyncset.done $0x0  }
0xcb: {  	s21 =	simm.s32 $0x0;
	[sflag:s16] =	ssyncadd.s32 $0xFFFFFD80  }
.LBB2_6:
0xcc: {  	s22 =	sshrl.u32 s21, $0x2  }
0xcd: {  	s22 =	smul.u32 $0x50000, s22;
	_ =	sdelay $0x1  }
0xce: {  	s23 =	sshll.u32 s21, $0x1;
	s24 =	sshll.u32 s21, $0x8;
	s22 =	sshra.s32 s22, $0x2  }
0xcf: {  	s24 =	sand.u32 $0x300, s24;
	s23 =	sadd.s32 $0x2, s23;
	s22 =	sadd.s32 s22, s6  }
0xd0: {  	s28 =	sshrl.u32 s23, $0x3;
	s22 =	sadd.s32 s24, s22  }
0xd1: {  	s24 =	smul.u32 $0x50000, s28;
	s22 =	sadd.s32 $0x80, s22  }
0xd2: {  	[tilespmem:s18], [sflag:$0x1] =	stream.strided.gather [spmem:s22], $0x280, s15, s14, $0x38;
	[tilespmem:$0xA680] =	vst v63  }
0xd3: {  	s29 =	sshll.u32 s23, $0x7;
	s30 =	sshra.s32 s24, $0x2  }
0xd4: {  	s22 =	sand.u32 $0x300, s29;
	s23 =	sadd.s32 s30, s6  }
0xd5: {  	s22 =	sadd.s32 s22, s23  }
0xd6: {  	[tilespmem:s19], [sflag:$0x2] =	stream.strided.gather [spmem:s22], $0x280, s15, s14, $0x38;
	[tilespmem:$0xA680] =	vst v63  }
0xd7: {  	_ =	swait.ge [sflag:s11], $0x280  }
0xd8: {  	[sflag:s11] =	ssyncset.done $0x0  }
0xd9: {  	s31 =	simm.s32 $0x79A0;
	[sflag:s11] =	ssyncadd.s32 $0xFFFFFD80  }
0xda: {  	v2 =	vld [tilespmem:s31+$0x10]  }
0xdb: {  	v3 =	vld [tilespmem:s31+$0xFFFFFFF0]  }
0xdc: {  	v4 =	vld [tilespmem:s31+$0x0]  }
0xdd: {  	v1 =	vld [tilespmem:s31+$0xFFFFFFE0]  }
0xde: {  	s22 =	simm.s32 $0x7730  }
0xdf: {  	[tilespmem:s22+$0x0] =	vst.add.f32.msk $0xffff, v2  }
0xe0: {  	[tilespmem:s22+$0xFFFFFFE0] =	vst.add.f32.msk $0xffff, v3  }
0xe1: {  	s24 =	simm.s32 $0x79E0;
	s23 =	simm.s32 $0x0;
	[tilespmem:s22+$0xFFFFFFF0] =	vst.add.f32.msk $0xffff, v4  }
.LBB2_7:
0xe2: {  	v2 =	vld [tilespmem:s24+$0x10];
	s23 =	sadd.s32 $0x4, s23;
	v3 =	vmov v1  }
0xe3: {  	v4 =	vld [tilespmem:s24+$0xFFFFFFF0];
	p0 =	slt.u32 s23, $0x24  }
0xe4: {  	v5 =	vld [tilespmem:s24+$0x0]  }
.Ltmp2:
0xe5: {  	v1 =	vld [tilespmem:s24+$0xFFFFFFE0];
	(pc) =	sbr.rel @p0 .LBB2_7-.Ltmp2, $4  }
0xe6: {  	[tilespmem:s22+$0xFFFFFFD0] =	vst.add.f32.msk $0xffff, v3;
	s22 =	sadd.s32 $0x40, s22  }
0xe7: {  	[tilespmem:s22+$0x0] =	vst.add.f32.msk $0xffff, v2  }
0xe8: {  	[tilespmem:s22+$0xFFFFFFE0] =	vst.add.f32.msk $0xffff, v4  }
0xe9: {  	s24 =	sadd.s32 $0x40, s24;
	[tilespmem:s22+$0xFFFFFFF0] =	vst.add.f32.msk $0xffff, v5  }
0xea: {  	[tilespmem:s22+$0xFFFFFFD0] =	vst.add.f32.msk $0xffff, v1  }
0xeb: {  	_ =	swait.ge [sflag:s12], $0x280  }
0xec: {  	[sflag:s12] =	ssyncset.done $0x0  }
0xed: {  	s23 =	simm.s32 $0x7C20;
	[sflag:s12] =	ssyncadd.s32 $0xFFFFFD80  }
0xee: {  	v2 =	vld [tilespmem:s23+$0x10]  }
0xef: {  	v3 =	vld [tilespmem:s23+$0xFFFFFFF0]  }
0xf0: {  	v4 =	vld [tilespmem:s23+$0x0]  }
0xf1: {  	v1 =	vld [tilespmem:s23+$0xFFFFFFE0]  }
0xf2: {  	s22 =	simm.s32 $0x7730  }
0xf3: {  	[tilespmem:s22+$0x0] =	vst.add.f32.msk $0xffff, v2  }
0xf4: {  	[tilespmem:s22+$0xFFFFFFE0] =	vst.add.f32.msk $0xffff, v3  }
0xf5: {  	s24 =	simm.s32 $0x7C60;
	s23 =	simm.s32 $0x0;
	[tilespmem:s22+$0xFFFFFFF0] =	vst.add.f32.msk $0xffff, v4  }
.LBB2_9:
0xf6: {  	v2 =	vld [tilespmem:s24+$0x10];
	s23 =	sadd.s32 $0x4, s23;
	v3 =	vmov v1  }
0xf7: {  	v4 =	vld [tilespmem:s24+$0xFFFFFFF0];
	p0 =	slt.u32 s23, $0x24  }
0xf8: {  	v5 =	vld [tilespmem:s24+$0x0]  }
.Ltmp3:
0xf9: {  	v1 =	vld [tilespmem:s24+$0xFFFFFFE0];
	(pc) =	sbr.rel @p0 .LBB2_9-.Ltmp3, $4  }
0xfa: {  	[tilespmem:s22+$0xFFFFFFD0] =	vst.add.f32.msk $0xffff, v3;
	s22 =	sadd.s32 $0x40, s22  }
0xfb: {  	[tilespmem:s22+$0x0] =	vst.add.f32.msk $0xffff, v2  }
0xfc: {  	[tilespmem:s22+$0xFFFFFFE0] =	vst.add.f32.msk $0xffff, v4  }
0xfd: {  	s24 =	sadd.s32 $0x40, s24;
	[tilespmem:s22+$0xFFFFFFF0] =	vst.add.f32.msk $0xffff, v5  }
0xfe: {  	s21 =	sadd.s32 $0x1, s21  }
0xff: {  	p0 =	sne.s32 s21, $0x7  }
.Ltmp4:
0x100: {  	_ = 	snop;
	(pc) =	sbr.rel @p0 .LBB2_6-.Ltmp4, $2  }
0x101: {  	_ =	sdelay $0x2  }
0x102: {  	[tilespmem:s22+$0xFFFFFFD0] =	vst.add.f32.msk $0xffff, v1  }
0x103: {  	[tilespmem:s18], [sflag:$0x3] =	stream.strided.gather [spmem:s7], $0x280, s15, s14, $0x38;
	[tilespmem:$0xA680] =	vst v63  }
0x104: {  	_ =	swait.ge [sflag:s16], $0x280  }
0x105: {  	[sflag:s16] =	ssyncset.done $0x0  }
0x106: {  	s22 =	simm.s32 $0x79A0;
	[sflag:s16] =	ssyncadd.s32 $0xFFFFFD80  }
0x107: {  	v2 =	vld [tilespmem:s22+$0x10]  }
0x108: {  	v3 =	vld [tilespmem:s22+$0xFFFFFFF0]  }
0x109: {  	v4 =	vld [tilespmem:s22+$0x0]  }
0x10a: {  	v1 =	vld [tilespmem:s22+$0xFFFFFFE0]  }
0x10b: {  	s21 =	simm.s32 $0x7730  }
0x10c: {  	[tilespmem:s21+$0x0] =	vst.add.f32.msk $0xffff, v2  }
0x10d: {  	[tilespmem:s21+$0xFFFFFFE0] =	vst.add.f32.msk $0xffff, v3  }
0x10e: {  	s23 =	simm.s32 $0x79E0;
	s22 =	simm.s32 $0x0;
	[tilespmem:s21+$0xFFFFFFF0] =	vst.add.f32.msk $0xffff, v4  }
.LBB2_12:
0x10f: {  	v2 =	vld [tilespmem:s23+$0x10];
	s22 =	sadd.s32 $0x4, s22;
	v3 =	vmov v1  }
0x110: {  	v4 =	vld [tilespmem:s23+$0xFFFFFFF0];
	p0 =	slt.u32 s22, $0x24  }
0x111: {  	v5 =	vld [tilespmem:s23+$0x0]  }
.Ltmp5:
0x112: {  	v1 =	vld [tilespmem:s23+$0xFFFFFFE0];
	(pc) =	sbr.rel @p0 .LBB2_12-.Ltmp5, $4  }
0x113: {  	[tilespmem:s21+$0xFFFFFFD0] =	vst.add.f32.msk $0xffff, v3;
	s21 =	sadd.s32 $0x40, s21  }
0x114: {  	[tilespmem:s21+$0x0] =	vst.add.f32.msk $0xffff, v2  }
0x115: {  	[tilespmem:s21+$0xFFFFFFE0] =	vst.add.f32.msk $0xffff, v4  }
0x116: {  	s23 =	sadd.s32 $0x40, s23;
	[tilespmem:s21+$0xFFFFFFF0] =	vst.add.f32.msk $0xffff, v5  }
0x117: {  	s20 =	sadd.s32 $0x1, s20  }
0x118: {  	p0 =	sne.s32 s20, s8  }
.Ltmp6:
0x119: {  	[tilespmem:s21+$0xFFFFFFD0] =	vst.add.f32.msk $0xffff, v1;
	(pc) =	sbr.rel @p0 .LBB2_1-.Ltmp6, $4  }
0x11a: {  	[hbm4b:s9+s2] =	stream.linear.scatter [tilespmem:s17], [sflag:$0x3], $0x280, $0x38;
	[tilespmem:$0xA680] =	vst v63  }
0x11b: {  	_ =	swait.ge [sflag:s16], $0x280  }
0x11c: {  	[sflag:s16] =	ssyncset.done $0x0  }
0x11d: {  	[sflag:s16] =	ssyncadd.s32 $0xFFFFFD80  }
0x11e: {  	_ =	sfence.sel $0x180000  }
0x11f: {  	[bflag:$0x0] =	sbarrier.arrive $0xFFFF  }
0x120: {  	p0 =	sne.s32 s1, $0x0;
	_ =	strace $0x90000047  }
0x121: {  	s0 =	sadd.s32 @!p0 $0x100000, s0;
	[bflag:$0x2] =	sbarrier.arrive $0xFFFF  }
0x122: {  	[sflag:s0] =	ssyncadd.tile.s32 @!p0 $0x1;
	_ =	shalt  }
.Lfunc_end2:
_tile_overlayer_lowered:
.L_overlay_start_2:
0x123: {  	(tag) =	ssettag $0x2  }
0x124: {  	s0 =	rddreg [dreg:$0x0];
	s2 =	stileid.u32  }
0x125: {  	s1 =	rddreg [dreg:$0x1];
	p0 =	sne.s32 s2, $0x0  }
0x126: {  	s3 =	rddreg [dreg:$0x2];
	[bflag:$0x3] =	sbarrier.arrive $0xFFFF;
	s2 =	simm.s32 @!p0 $0x1C03  }
0x127: {  	[timem:s3], [sflag:s2] =	dma.local @!p0 [hbm:s0], s1  }
0x128: {  	s0 =	simm.s32 @!p0 $0x3  }
0x129: {  	_ =	swait.ge @!p0 [sflag:s0], s1  }
0x12a: {  	s1 =	ssub.s32 @!p0 $0x0, s1;
	[sflag:s0] =	ssyncset.done @!p0 $0x0  }
0x12b: {  	[sflag:s0] =	ssyncadd.s32 @!p0 s1  }
0x12c: {  	[bflag:$0x3] =	sbarrier.arrive $0xFFFF  }
0x12d: {  	_ =	shalt  }

</sc_bundles>
